<compile_context>
chip_gen: v7x
topology: tpu7x:2x2x1
jax: 0.10.2.dev20260603
libtpu: 0.0.44.dev20260713+nightly
codegen_flags: <defaults>
</compile_context>

<pallas_src>
import functools

import jax
import jax.numpy as jnp
from jax import lax
from jax.experimental import pallas as pl
from jax.experimental.pallas import tpu as pltpu
from jax.experimental.pallas import tpu_sc as plsc



def _make_sc_gather(n, m, table_n):
    info = plsc.get_sparse_core_info()
    nc, ns, nl = info.num_cores, info.num_subcores, info.num_lanes
    nw = nc * ns
    assert n % nw == 0 and m % nl == 0
    rows_per_w = n // nw
    chunks_per_row = m // nl
    table_pad = ((table_n + nl - 1) // nl) * nl
    mesh = plsc.VectorSubcoreMesh(core_axis_name="c", subcore_axis_name="s")

    @functools.partial(
        pl.kernel,
        mesh=mesh,
        out_type=jax.ShapeDtypeStruct((n, m), jnp.float32),
        scratch_types=[
            pltpu.VMEM((table_pad,), jnp.float32),
            pltpu.VMEM((rows_per_w, m), jnp.int32),
            pltpu.VMEM((rows_per_w, m), jnp.float32),
        ],
        compiler_params=pltpu.CompilerParams(needs_layout_passes=False),
    )
    def sc_gather(table_h, idx_h, bias_h, table_v, idx_v, bias_v):
        wid = lax.axis_index("s") * nc + lax.axis_index("c")
        base = wid * rows_per_w
        pltpu.sync_copy(table_h, table_v.at[pl.ds(0, table_n)])
        pltpu.sync_copy(idx_h.at[pl.ds(base, rows_per_w), :], idx_v)

        @plsc.parallel_loop(0, rows_per_w)
        def _(r):
            for c in range(chunks_per_row):
                iv = idx_v[r, pl.ds(c * nl, nl)]
                bias_v[r, pl.ds(c * nl, nl)] = plsc.load_gather(table_v, [iv])

        pltpu.sync_copy(bias_v, bias_h.at[pl.ds(base, rows_per_w), :])

    return sc_gather



def _tc_add_body(a_ref, b_ref, o_ref):
    o_ref[...] = a_ref[...] + b_ref[...][None]


def _tc_add(attn, bias2d, head_block=2):
    _, nh, n, m = attn.shape
    a3 = attn.reshape(nh, n, m)
    grid = (nh // head_block,)
    out = pl.pallas_call(
        _tc_add_body,
        grid=grid,
        in_specs=[
            pl.BlockSpec((head_block, n, m), lambda h: (h, 0, 0)),
            pl.BlockSpec((n, m), lambda h: (0, 0)),
        ],
        out_specs=pl.BlockSpec((head_block, n, m), lambda h: (h, 0, 0)),
        out_shape=jax.ShapeDtypeStruct(a3.shape, a3.dtype),
    )(a3, bias2d)
    return out.reshape(attn.shape)


def kernel(attn_weights, relative_position_index, relative_position_bias_table):
    n, m = relative_position_index.shape
    table_flat = relative_position_bias_table.reshape(-1)

    bias2d = _make_sc_gather(n, m, table_flat.shape[0])(
        table_flat, relative_position_index)
    return _tc_add(attn_weights, bias2d)

# --- scband reference (transcript-rebuilt; emitter-appended) ---
"""Pipeline reference for scband-relative-position-bias-35416300323373 (READ-ONLY COPY).

The authoritative reference and input builder live on the scoring server;
editing this copy changes nothing except your own understanding.
"""

import jax, jax.numpy as jnp
import numpy as np


def _rel_pos_index(wh, ww):
    coords_h = np.arange(wh)
    coords_w = np.arange(ww)
    coords = np.stack(np.meshgrid(coords_h, coords_w, indexing='ij'))
    coords_flatten = coords.reshape(2, -1)
    rel = coords_flatten[:, :, None] - coords_flatten[:, None, :]
    rel = rel.transpose(1, 2, 0).copy()
    rel[:, :, 0] += wh - 1
    rel[:, :, 1] += ww - 1
    rel[:, :, 0] *= 2 * ww - 1
    return rel.sum(-1)


def setup_inputs(seed: int = 0):
    key = jax.random.key(seed)
    k1, k2 = jax.random.split(key)
    wh, ww = 32, 32
    n = wh * ww
    attn_weights = jax.random.normal(k1, (1, 16, n, n), dtype=jnp.float32)
    relative_position_bias_table = jax.random.normal(k2, ((2 * wh - 1) * (2 * ww - 1), 1), dtype=jnp.float32) * 0.02
    relative_position_index = jnp.asarray(_rel_pos_index(wh, ww), dtype=jnp.int32)
    return {
        "attn_weights": attn_weights,
        "relative_position_index": relative_position_index,
        "relative_position_bias_table": relative_position_bias_table,
    }


def reference(attn_weights, relative_position_index, relative_position_bias_table):
    # gather: table lookup by flattened relative position index
    bias = jnp.take(relative_position_bias_table, relative_position_index.reshape(-1), axis=0)
    bias = bias.reshape(attn_weights.shape[0], -1, attn_weights.shape[2])
    out = attn_weights + bias[:, None, :, :]
    return out

if __name__ == "__main__":
    import jax
    _d = setup_inputs()
    print(jax.jit(kernel)(*tuple(_d.values())))

</pallas_src>

<mosaic_0001>
#map = affine_map<(d0, d1) -> (0)>
#map1 = affine_map<(d0, d1) -> (0, 0)>
module attributes {stable_mosaic.version = 14 : i64} {
  func.func @sc_gather(%arg0: i32, %arg1: i32, %arg2: memref<3969xf32, #tpu.memory_space<hbm>>, %arg3: memref<1024x1024xi32, #tpu.memory_space<hbm>>, %arg4: memref<1024x1024xf32, #tpu.memory_space<hbm>>, %arg5: memref<3984xf32, #tpu.memory_space<vmem>>, %arg6: memref<32x1024xi32, #tpu.memory_space<vmem>>, %arg7: memref<32x1024xf32, #tpu.memory_space<vmem>>) attributes {dimension_semantics = [#tpu.dimension_semantics<core_parallel>, #tpu.dimension_semantics<subcore_parallel>], iteration_bounds = array<i64: 2, 16>, scalar_prefetch = 0 : i64, scratch_operands = 3 : i64, tpu.core_type = #tpu.core_type<sc_vector_subcore>, window_params = [{transform_indices = #map}, {transform_indices = #map1}, {transform_indices = #map1}]} {
    %mul3A = arith.constant 2 : i32
    %mul3A_0 = arith.muli %arg1, %mul3A : i32
    %add3A = arith.addi %mul3A_0, %arg0 : i32
    %mul3A_1 = arith.constant 32 : i32
    %mul3A_2 = arith.muli %add3A, %mul3A_1 : i32
    "tpu.region"() ({
      %run_scoped3A = tpu.sem_alloc : memref<!tpu.dma_semaphore, #tpu.memory_space<semaphore_mem>>
      %dma_start3A = arith.constant 0 : i32
      %dma_start3A_5 = tpu.memref_slice %arg5[%dma_start3A] : memref<3984xf32, #tpu.memory_space<vmem>> -> memref<3969xf32, #tpu.memory_space<vmem>>
      %dma_start3A_6 = arith.constant 0 : i32
      %dma_start3A_7 = tpu.memref_slice %arg5[%dma_start3A_6] : memref<3984xf32, #tpu.memory_space<vmem>> -> memref<3969xf32, #tpu.memory_space<vmem>>
      tpu.enqueue_dma source(%arg2 : memref<3969xf32, #tpu.memory_space<hbm>>) target(%dma_start3A_7 : memref<3969xf32, #tpu.memory_space<vmem>>) target_semaphore(%run_scoped3A : memref<!tpu.dma_semaphore, #tpu.memory_space<semaphore_mem>>)
      %dma_wait3A = arith.constant 0 : i32
      %dma_wait3A_8 = tpu.memref_slice %arg5[%dma_wait3A] : memref<3984xf32, #tpu.memory_space<vmem>> -> memref<3969xf32, #tpu.memory_space<vmem>>
      %dma_wait3A_9 = arith.constant 0 : i32
      %dma_wait3A_10 = tpu.memref_slice %arg5[%dma_wait3A_9] : memref<3984xf32, #tpu.memory_space<vmem>> -> memref<3969xf32, #tpu.memory_space<vmem>>
      tpu.wait_dma2 semaphore(%run_scoped3A : memref<!tpu.dma_semaphore, #tpu.memory_space<semaphore_mem>>) src(%arg2 : memref<3969xf32, #tpu.memory_space<hbm>>) dst(%dma_wait3A_10 : memref<3969xf32, #tpu.memory_space<vmem>>)
      tpu.yield
    }) : () -> ()
    "tpu.region"() ({
      %run_scoped3A = tpu.sem_alloc : memref<!tpu.dma_semaphore, #tpu.memory_space<semaphore_mem>>
      %dma_start3A = arith.constant 0 : i32
      %dma_start3A_5 = tpu.memref_slice %arg3[%mul3A_2, %dma_start3A] : memref<1024x1024xi32, #tpu.memory_space<hbm>> -> memref<32x1024xi32, #tpu.memory_space<hbm>>
      %dma_start3A_6 = arith.constant 0 : i32
      %dma_start3A_7 = tpu.memref_slice %arg3[%mul3A_2, %dma_start3A_6] : memref<1024x1024xi32, #tpu.memory_space<hbm>> -> memref<32x1024xi32, #tpu.memory_space<hbm>>
      tpu.enqueue_dma source(%dma_start3A_7 : memref<32x1024xi32, #tpu.memory_space<hbm>>) target(%arg6 : memref<32x1024xi32, #tpu.memory_space<vmem>>) target_semaphore(%run_scoped3A : memref<!tpu.dma_semaphore, #tpu.memory_space<semaphore_mem>>)
      %dma_wait3A = arith.constant 0 : i32
      %dma_wait3A_8 = tpu.memref_slice %arg3[%mul3A_2, %dma_wait3A] : memref<1024x1024xi32, #tpu.memory_space<hbm>> -> memref<32x1024xi32, #tpu.memory_space<hbm>>
      %dma_wait3A_9 = arith.constant 0 : i32
      %dma_wait3A_10 = tpu.memref_slice %arg3[%mul3A_2, %dma_wait3A_9] : memref<1024x1024xi32, #tpu.memory_space<hbm>> -> memref<32x1024xi32, #tpu.memory_space<hbm>>
      tpu.wait_dma2 semaphore(%run_scoped3A : memref<!tpu.dma_semaphore, #tpu.memory_space<semaphore_mem>>) src(%dma_wait3A_10 : memref<32x1024xi32, #tpu.memory_space<hbm>>) dst(%arg6 : memref<32x1024xi32, #tpu.memory_space<vmem>>)
      tpu.yield
    }) : () -> ()
    %parallel_loop3A = arith.constant 0 : i32
    %parallel_loop3A_3 = arith.constant 32 : i32
    %parallel_loop3A_4 = arith.constant 1 : i32
    scf.for %parallel_loop3A_5 = %parallel_loop3A to %parallel_loop3A_3 step %parallel_loop3A_4  : i32 {
      %parallel_loop3A_6 = arith.index_cast %parallel_loop3A_5 : i32 to index
      %parallel_loop3A_7 = arith.constant 0 : index
      %parallel_loop3A_8 = tpu.vector_load %arg6[%parallel_loop3A_6, %parallel_loop3A_7] {strides = array<i32>} : memref<32x1024xi32, #tpu.memory_space<vmem>>, vector<16xi32>,
      %parallel_loop3A_9 = tpu.vector_load_idx %arg5[%parallel_loop3A_8] : memref<3984xf32, #tpu.memory_space<vmem>>[vector<16xi32>], vector<16xf32>,
      %parallel_loop3A_10 = arith.index_cast %parallel_loop3A_5 : i32 to index
      %parallel_loop3A_11 = arith.constant 0 : index
      %parallel_loop3A_12 = tpu.vector_load %arg7[%parallel_loop3A_10, %parallel_loop3A_11] {strides = array<i32>} : memref<32x1024xf32, #tpu.memory_space<vmem>>, vector<16xf32>,
      tpu.vector_store %arg7[%parallel_loop3A_10, %parallel_loop3A_11], %parallel_loop3A_9 {strides = array<i32>} : memref<32x1024xf32, #tpu.memory_space<vmem>>, vector<16xf32>,
      %parallel_loop3A_13 = arith.index_cast %parallel_loop3A_5 : i32 to index
      %parallel_loop3A_14 = arith.constant 16 : index
      %parallel_loop3A_15 = tpu.vector_load %arg6[%parallel_loop3A_13, %parallel_loop3A_14] {strides = array<i32>} : memref<32x1024xi32, #tpu.memory_space<vmem>>, vector<16xi32>,
      %parallel_loop3A_16 = tpu.vector_load_idx %arg5[%parallel_loop3A_15] : memref<3984xf32, #tpu.memory_space<vmem>>[vector<16xi32>], vector<16xf32>,
      %parallel_loop3A_17 = arith.index_cast %parallel_loop3A_5 : i32 to index
      %parallel_loop3A_18 = arith.constant 16 : index
      %parallel_loop3A_19 = tpu.vector_load %arg7[%parallel_loop3A_17, %parallel_loop3A_18] {strides = array<i32>} : memref<32x1024xf32, #tpu.memory_space<vmem>>, vector<16xf32>,
      tpu.vector_store %arg7[%parallel_loop3A_17, %parallel_loop3A_18], %parallel_loop3A_16 {strides = array<i32>} : memref<32x1024xf32, #tpu.memory_space<vmem>>, vector<16xf32>,
      %parallel_loop3A_20 = arith.index_cast %parallel_loop3A_5 : i32 to index
      %parallel_loop3A_21 = arith.constant 32 : index
      %parallel_loop3A_22 = tpu.vector_load %arg6[%parallel_loop3A_20, %parallel_loop3A_21] {strides = array<i32>} : memref<32x1024xi32, #tpu.memory_space<vmem>>, vector<16xi32>,
      %parallel_loop3A_23 = tpu.vector_load_idx %arg5[%parallel_loop3A_22] : memref<3984xf32, #tpu.memory_space<vmem>>[vector<16xi32>], vector<16xf32>,
      %parallel_loop3A_24 = arith.index_cast %parallel_loop3A_5 : i32 to index
      %parallel_loop3A_25 = arith.constant 32 : index
      %parallel_loop3A_26 = tpu.vector_load %arg7[%parallel_loop3A_24, %parallel_loop3A_25] {strides = array<i32>} : memref<32x1024xf32, #tpu.memory_space<vmem>>, vector<16xf32>,
      tpu.vector_store %arg7[%parallel_loop3A_24, %parallel_loop3A_25], %parallel_loop3A_23 {strides = array<i32>} : memref<32x1024xf32, #tpu.memory_space<vmem>>, vector<16xf32>,
      %parallel_loop3A_27 = arith.index_cast %parallel_loop3A_5 : i32 to index
      %parallel_loop3A_28 = arith.constant 48 : index
      %parallel_loop3A_29 = tpu.vector_load %arg6[%parallel_loop3A_27, %parallel_loop3A_28] {strides = array<i32>} : memref<32x1024xi32, #tpu.memory_space<vmem>>, vector<16xi32>,
      %parallel_loop3A_30 = tpu.vector_load_idx %arg5[%parallel_loop3A_29] : memref<3984xf32, #tpu.memory_space<vmem>>[vector<16xi32>], vector<16xf32>,
      %parallel_loop3A_31 = arith.index_cast %parallel_loop3A_5 : i32 to index
      %parallel_loop3A_32 = arith.constant 48 : index
      %parallel_loop3A_33 = tpu.vector_load %arg7[%parallel_loop3A_31, %parallel_loop3A_32] {strides = array<i32>} : memref<32x1024xf32, #tpu.memory_space<vmem>>, vector<16xf32>,
      tpu.vector_store %arg7[%parallel_loop3A_31, %parallel_loop3A_32], %parallel_loop3A_30 {strides = array<i32>} : memref<32x1024xf32, #tpu.memory_space<vmem>>, vector<16xf32>,
      %parallel_loop3A_34 = arith.index_cast %parallel_loop3A_5 : i32 to index
      %parallel_loop3A_35 = arith.constant 64 : index
      %parallel_loop3A_36 = tpu.vector_load %arg6[%parallel_loop3A_34, %parallel_loop3A_35] {strides = array<i32>} : memref<32x1024xi32, #tpu.memory_space<vmem>>, vector<16xi32>,
      %parallel_loop3A_37 = tpu.vector_load_idx %arg5[%parallel_loop3A_36] : memref<3984xf32, #tpu.memory_space<vmem>>[vector<16xi32>], vector<16xf32>,
      %parallel_loop3A_38 = arith.index_cast %parallel_loop3A_5 : i32 to index
      %parallel_loop3A_39 = arith.constant 64 : index
      %parallel_loop3A_40 = tpu.vector_load %arg7[%parallel_loop3A_38, %parallel_loop3A_39] {strides = array<i32>} : memref<32x1024xf32, #tpu.memory_space<vmem>>, vector<16xf32>,
      tpu.vector_store %arg7[%parallel_loop3A_38, %parallel_loop3A_39], %parallel_loop3A_37 {strides = array<i32>} : memref<32x1024xf32, #tpu.memory_space<vmem>>, vector<16xf32>,
      %parallel_loop3A_41 = arith.index_cast %parallel_loop3A_5 : i32 to index
      %parallel_loop3A_42 = arith.constant 80 : index
      %parallel_loop3A_43 = tpu.vector_load %arg6[%parallel_loop3A_41, %parallel_loop3A_42] {strides = array<i32>} : memref<32x1024xi32, #tpu.memory_space<vmem>>, vector<16xi32>,
      %parallel_loop3A_44 = tpu.vector_load_idx %arg5[%parallel_loop3A_43] : memref<3984xf32, #tpu.memory_space<vmem>>[vector<16xi32>], vector<16xf32>,
      %parallel_loop3A_45 = arith.index_cast %parallel_loop3A_5 : i32 to index
      %parallel_loop3A_46 = arith.constant 80 : index
      %parallel_loop3A_47 = tpu.vector_load %arg7[%parallel_loop3A_45, %parallel_loop3A_46] {strides = array<i32>} : memref<32x1024xf32, #tpu.memory_space<vmem>>, vector<16xf32>,
      tpu.vector_store %arg7[%parallel_loop3A_45, %parallel_loop3A_46], %parallel_loop3A_44 {strides = array<i32>} : memref<32x1024xf32, #tpu.memory_space<vmem>>, vector<16xf32>,
      %parallel_loop3A_48 = arith.index_cast %parallel_loop3A_5 : i32 to index
      %parallel_loop3A_49 = arith.constant 96 : index
      %parallel_loop3A_50 = tpu.vector_load %arg6[%parallel_loop3A_48, %parallel_loop3A_49] {strides = array<i32>} : memref<32x1024xi32, #tpu.memory_space<vmem>>, vector<16xi32>,
      %parallel_loop3A_51 = tpu.vector_load_idx %arg5[%parallel_loop3A_50] : memref<3984xf32, #tpu.memory_space<vmem>>[vector<16xi32>], vector<16xf32>,
      %parallel_loop3A_52 = arith.index_cast %parallel_loop3A_5 : i32 to index
      %parallel_loop3A_53 = arith.constant 96 : index
      %parallel_loop3A_54 = tpu.vector_load %arg7[%parallel_loop3A_52, %parallel_loop3A_53] {strides = array<i32>} : memref<32x1024xf32, #tpu.memory_space<vmem>>, vector<16xf32>,
      tpu.vector_store %arg7[%parallel_loop3A_52, %parallel_loop3A_53], %parallel_loop3A_51 {strides = array<i32>} : memref<32x1024xf32, #tpu.memory_space<vmem>>, vector<16xf32>,
      %parallel_loop3A_55 = arith.index_cast %parallel_loop3A_5 : i32 to index
      %parallel_loop3A_56 = arith.constant 112 : index
      %parallel_loop3A_57 = tpu.vector_load %arg6[%parallel_loop3A_55, %parallel_loop3A_56] {strides = array<i32>} : memref<32x1024xi32, #tpu.memory_space<vmem>>, vector<16xi32>,
      %parallel_loop3A_58 = tpu.vector_load_idx %arg5[%parallel_loop3A_57] : memref<3984xf32, #tpu.memory_space<vmem>>[vector<16xi32>], vector<16xf32>,
      %parallel_loop3A_59 = arith.index_cast %parallel_loop3A_5 : i32 to index
      %parallel_loop3A_60 = arith.constant 112 : index
      %parallel_loop3A_61 = tpu.vector_load %arg7[%parallel_loop3A_59, %parallel_loop3A_60] {strides = array<i32>} : memref<32x1024xf32, #tpu.memory_space<vmem>>, vector<16xf32>,
      tpu.vector_store %arg7[%parallel_loop3A_59, %parallel_loop3A_60], %parallel_loop3A_58 {strides = array<i32>} : memref<32x1024xf32, #tpu.memory_space<vmem>>, vector<16xf32>,
      %parallel_loop3A_62 = arith.index_cast %parallel_loop3A_5 : i32 to index
      %parallel_loop3A_63 = arith.constant 128 : index
      %parallel_loop3A_64 = tpu.vector_load %arg6[%parallel_loop3A_62, %parallel_loop3A_63] {strides = array<i32>} : memref<32x1024xi32, #tpu.memory_space<vmem>>, vector<16xi32>,
      %parallel_loop3A_65 = tpu.vector_load_idx %arg5[%parallel_loop3A_64] : memref<3984xf32, #tpu.memory_space<vmem>>[vector<16xi32>], vector<16xf32>,
      %parallel_loop3A_66 = arith.index_cast %parallel_loop3A_5 : i32 to index
      %parallel_loop3A_67 = arith.constant 128 : index
      %parallel_loop3A_68 = tpu.vector_load %arg7[%parallel_loop3A_66, %parallel_loop3A_67] {strides = array<i32>} : memref<32x1024xf32, #tpu.memory_space<vmem>>, vector<16xf32>,
      tpu.vector_store %arg7[%parallel_loop3A_66, %parallel_loop3A_67], %parallel_loop3A_65 {strides = array<i32>} : memref<32x1024xf32, #tpu.memory_space<vmem>>, vector<16xf32>,
      %parallel_loop3A_69 = arith.index_cast %parallel_loop3A_5 : i32 to index
      %parallel_loop3A_70 = arith.constant 144 : index
      %parallel_loop3A_71 = tpu.vector_load %arg6[%parallel_loop3A_69, %parallel_loop3A_70] {strides = array<i32>} : memref<32x1024xi32, #tpu.memory_space<vmem>>, vector<16xi32>,
      %parallel_loop3A_72 = tpu.vector_load_idx %arg5[%parallel_loop3A_71] : memref<3984xf32, #tpu.memory_space<vmem>>[vector<16xi32>], vector<16xf32>,
      %parallel_loop3A_73 = arith.index_cast %parallel_loop3A_5 : i32 to index
      %parallel_loop3A_74 = arith.constant 144 : index
      %parallel_loop3A_75 = tpu.vector_load %arg7[%parallel_loop3A_73, %parallel_loop3A_74] {strides = array<i32>} : memref<32x1024xf32, #tpu.memory_space<vmem>>, vector<16xf32>,
      tpu.vector_store %arg7[%parallel_loop3A_73, %parallel_loop3A_74], %parallel_loop3A_72 {strides = array<i32>} : memref<32x1024xf32, #tpu.memory_space<vmem>>, vector<16xf32>,
      %parallel_loop3A_76 = arith.index_cast %parallel_loop3A_5 : i32 to index
      %parallel_loop3A_77 = arith.constant 160 : index
      %parallel_loop3A_78 = tpu.vector_load %arg6[%parallel_loop3A_76, %parallel_loop3A_77] {strides = array<i32>} : memref<32x1024xi32, #tpu.memory_space<vmem>>, vector<16xi32>,
      %parallel_loop3A_79 = tpu.vector_load_idx %arg5[%parallel_loop3A_78] : memref<3984xf32, #tpu.memory_space<vmem>>[vector<16xi32>], vector<16xf32>,
      %parallel_loop3A_80 = arith.index_cast %parallel_loop3A_5 : i32 to index
      %parallel_loop3A_81 = arith.constant 160 : index
      %parallel_loop3A_82 = tpu.vector_load %arg7[%parallel_loop3A_80, %parallel_loop3A_81] {strides = array<i32>} : memref<32x1024xf32, #tpu.memory_space<vmem>>, vector<16xf32>,
      tpu.vector_store %arg7[%parallel_loop3A_80, %parallel_loop3A_81], %parallel_loop3A_79 {strides = array<i32>} : memref<32x1024xf32, #tpu.memory_space<vmem>>, vector<16xf32>,
      %parallel_loop3A_83 = arith.index_cast %parallel_loop3A_5 : i32 to index
      %parallel_loop3A_84 = arith.constant 176 : index
      %parallel_loop3A_85 = tpu.vector_load %arg6[%parallel_loop3A_83, %parallel_loop3A_84] {strides = array<i32>} : memref<32x1024xi32, #tpu.memory_space<vmem>>, vector<16xi32>,
      %parallel_loop3A_86 = tpu.vector_load_idx %arg5[%parallel_loop3A_85] : memref<3984xf32, #tpu.memory_space<vmem>>[vector<16xi32>], vector<16xf32>,
      %parallel_loop3A_87 = arith.index_cast %parallel_loop3A_5 : i32 to index
      %parallel_loop3A_88 = arith.constant 176 : index
      %parallel_loop3A_89 = tpu.vector_load %arg7[%parallel_loop3A_87, %parallel_loop3A_88] {strides = array<i32>} : memref<32x1024xf32, #tpu.memory_space<vmem>>, vector<16xf32>,
      tpu.vector_store %arg7[%parallel_loop3A_87, %parallel_loop3A_88], %parallel_loop3A_86 {strides = array<i32>} : memref<32x1024xf32, #tpu.memory_space<vmem>>, vector<16xf32>,
      %parallel_loop3A_90 = arith.index_cast %parallel_loop3A_5 : i32 to index
      %parallel_loop3A_91 = arith.constant 192 : index
      %parallel_loop3A_92 = tpu.vector_load %arg6[%parallel_loop3A_90, %parallel_loop3A_91] {strides = array<i32>} : memref<32x1024xi32, #tpu.memory_space<vmem>>, vector<16xi32>,
      %parallel_loop3A_93 = tpu.vector_load_idx %arg5[%parallel_loop3A_92] : memref<3984xf32, #tpu.memory_space<vmem>>[vector<16xi32>], vector<16xf32>,
      %parallel_loop3A_94 = arith.index_cast %parallel_loop3A_5 : i32 to index
      %parallel_loop3A_95 = arith.constant 192 : index
      %parallel_loop3A_96 = tpu.vector_load %arg7[%parallel_loop3A_94, %parallel_loop3A_95] {strides = array<i32>} : memref<32x1024xf32, #tpu.memory_space<vmem>>, vector<16xf32>,
      tpu.vector_store %arg7[%parallel_loop3A_94, %parallel_loop3A_95], %parallel_loop3A_93 {strides = array<i32>} : memref<32x1024xf32, #tpu.memory_space<vmem>>, vector<16xf32>,
      %parallel_loop3A_97 = arith.index_cast %parallel_loop3A_5 : i32 to index
      %parallel_loop3A_98 = arith.constant 208 : index
      %parallel_loop3A_99 = tpu.vector_load %arg6[%parallel_loop3A_97, %parallel_loop3A_98] {strides = array<i32>} : memref<32x1024xi32, #tpu.memory_space<vmem>>, vector<16xi32>,
      %parallel_loop3A_100 = tpu.vector_load_idx %arg5[%parallel_loop3A_99] : memref<3984xf32, #tpu.memory_space<vmem>>[vector<16xi32>], vector<16xf32>,
      %parallel_loop3A_101 = arith.index_cast %parallel_loop3A_5 : i32 to index
      %parallel_loop3A_102 = arith.constant 208 : index
      %parallel_loop3A_103 = tpu.vector_load %arg7[%parallel_loop3A_101, %parallel_loop3A_102] {strides = array<i32>} : memref<32x1024xf32, #tpu.memory_space<vmem>>, vector<16xf32>,
      tpu.vector_store %arg7[%parallel_loop3A_101, %parallel_loop3A_102], %parallel_loop3A_100 {strides = array<i32>} : memref<32x1024xf32, #tpu.memory_space<vmem>>, vector<16xf32>,
      %parallel_loop3A_104 = arith.index_cast %parallel_loop3A_5 : i32 to index
      %parallel_loop3A_105 = arith.constant 224 : index
      %parallel_loop3A_106 = tpu.vector_load %arg6[%parallel_loop3A_104, %parallel_loop3A_105] {strides = array<i32>} : memref<32x1024xi32, #tpu.memory_space<vmem>>, vector<16xi32>,
      %parallel_loop3A_107 = tpu.vector_load_idx %arg5[%parallel_loop3A_106] : memref<3984xf32, #tpu.memory_space<vmem>>[vector<16xi32>], vector<16xf32>,
      %parallel_loop3A_108 = arith.index_cast %parallel_loop3A_5 : i32 to index
      %parallel_loop3A_109 = arith.constant 224 : index
      %parallel_loop3A_110 = tpu.vector_load %arg7[%parallel_loop3A_108, %parallel_loop3A_109] {strides = array<i32>} : memref<32x1024xf32, #tpu.memory_space<vmem>>, vector<16xf32>,
      tpu.vector_store %arg7[%parallel_loop3A_108, %parallel_loop3A_109], %parallel_loop3A_107 {strides = array<i32>} : memref<32x1024xf32, #tpu.memory_space<vmem>>, vector<16xf32>,
      %parallel_loop3A_111 = arith.index_cast %parallel_loop3A_5 : i32 to index
      %parallel_loop3A_112 = arith.constant 240 : index
      %parallel_loop3A_113 = tpu.vector_load %arg6[%parallel_loop3A_111, %parallel_loop3A_112] {strides = array<i32>} : memref<32x1024xi32, #tpu.memory_space<vmem>>, vector<16xi32>,
      %parallel_loop3A_114 = tpu.vector_load_idx %arg5[%parallel_loop3A_113] : memref<3984xf32, #tpu.memory_space<vmem>>[vector<16xi32>], vector<16xf32>,
      %parallel_loop3A_115 = arith.index_cast %parallel_loop3A_5 : i32 to index
      %parallel_loop3A_116 = arith.constant 240 : index
      %parallel_loop3A_117 = tpu.vector_load %arg7[%parallel_loop3A_115, %parallel_loop3A_116] {strides = array<i32>} : memref<32x1024xf32, #tpu.memory_space<vmem>>, vector<16xf32>,
      tpu.vector_store %arg7[%parallel_loop3A_115, %parallel_loop3A_116], %parallel_loop3A_114 {strides = array<i32>} : memref<32x1024xf32, #tpu.memory_space<vmem>>, vector<16xf32>,
      %parallel_loop3A_118 = arith.index_cast %parallel_loop3A_5 : i32 to index
      %parallel_loop3A_119 = arith.constant 256 : index
      %parallel_loop3A_120 = tpu.vector_load %arg6[%parallel_loop3A_118, %parallel_loop3A_119] {strides = array<i32>} : memref<32x1024xi32, #tpu.memory_space<vmem>>, vector<16xi32>,
      %parallel_loop3A_121 = tpu.vector_load_idx %arg5[%parallel_loop3A_120] : memref<3984xf32, #tpu.memory_space<vmem>>[vector<16xi32>], vector<16xf32>,
      %parallel_loop3A_122 = arith.index_cast %parallel_loop3A_5 : i32 to index
      %parallel_loop3A_123 = arith.constant 256 : index
      %parallel_loop3A_124 = tpu.vector_load %arg7[%parallel_loop3A_122, %parallel_loop3A_123] {strides = array<i32>} : memref<32x1024xf32, #tpu.memory_space<vmem>>, vector<16xf32>,
      tpu.vector_store %arg7[%parallel_loop3A_122, %parallel_loop3A_123], %parallel_loop3A_121 {strides = array<i32>} : memref<32x1024xf32, #tpu.memory_space<vmem>>, vector<16xf32>,
      %parallel_loop3A_125 = arith.index_cast %parallel_loop3A_5 : i32 to index
      %parallel_loop3A_126 = arith.constant 272 : index
      %parallel_loop3A_127 = tpu.vector_load %arg6[%parallel_loop3A_125, %parallel_loop3A_126] {strides = array<i32>} : memref<32x1024xi32, #tpu.memory_space<vmem>>, vector<16xi32>,
      %parallel_loop3A_128 = tpu.vector_load_idx %arg5[%parallel_loop3A_127] : memref<3984xf32, #tpu.memory_space<vmem>>[vector<16xi32>], vector<16xf32>,
      %parallel_loop3A_129 = arith.index_cast %parallel_loop3A_5 : i32 to index
      %parallel_loop3A_130 = arith.constant 272 : index
      %parallel_loop3A_131 = tpu.vector_load %arg7[%parallel_loop3A_129, %parallel_loop3A_130] {strides = array<i32>} : memref<32x1024xf32, #tpu.memory_space<vmem>>, vector<16xf32>,
      tpu.vector_store %arg7[%parallel_loop3A_129, %parallel_loop3A_130], %parallel_loop3A_128 {strides = array<i32>} : memref<32x1024xf32, #tpu.memory_space<vmem>>, vector<16xf32>,
      %parallel_loop3A_132 = arith.index_cast %parallel_loop3A_5 : i32 to index
      %parallel_loop3A_133 = arith.constant 288 : index
      %parallel_loop3A_134 = tpu.vector_load %arg6[%parallel_loop3A_132, %parallel_loop3A_133] {strides = array<i32>} : memref<32x1024xi32, #tpu.memory_space<vmem>>, vector<16xi32>,
      %parallel_loop3A_135 = tpu.vector_load_idx %arg5[%parallel_loop3A_134] : memref<3984xf32, #tpu.memory_space<vmem>>[vector<16xi32>], vector<16xf32>,
      %parallel_loop3A_136 = arith.index_cast %parallel_loop3A_5 : i32 to index
      %parallel_loop3A_137 = arith.constant 288 : index
      %parallel_loop3A_138 = tpu.vector_load %arg7[%parallel_loop3A_136, %parallel_loop3A_137] {strides = array<i32>} : memref<32x1024xf32, #tpu.memory_space<vmem>>, vector<16xf32>,
      tpu.vector_store %arg7[%parallel_loop3A_136, %parallel_loop3A_137], %parallel_loop3A_135 {strides = array<i32>} : memref<32x1024xf32, #tpu.memory_space<vmem>>, vector<16xf32>,
      %parallel_loop3A_139 = arith.index_cast %parallel_loop3A_5 : i32 to index
      %parallel_loop3A_140 = arith.constant 304 : index
      %parallel_loop3A_141 = tpu.vector_load %arg6[%parallel_loop3A_139, %parallel_loop3A_140] {strides = array<i32>} : memref<32x1024xi32, #tpu.memory_space<vmem>>, vector<16xi32>,
      %parallel_loop3A_142 = tpu.vector_load_idx %arg5[%parallel_loop3A_141] : memref<3984xf32, #tpu.memory_space<vmem>>[vector<16xi32>], vector<16xf32>,
      %parallel_loop3A_143 = arith.index_cast %parallel_loop3A_5 : i32 to index
      %parallel_loop3A_144 = arith.constant 304 : index
      %parallel_loop3A_145 = tpu.vector_load %arg7[%parallel_loop3A_143, %parallel_loop3A_144] {strides = array<i32>} : memref<32x1024xf32, #tpu.memory_space<vmem>>, vector<16xf32>,
      tpu.vector_store %arg7[%parallel_loop3A_143, %parallel_loop3A_144], %parallel_loop3A_142 {strides = array<i32>} : memref<32x1024xf32, #tpu.memory_space<vmem>>, vector<16xf32>,
      %parallel_loop3A_146 = arith.index_cast %parallel_loop3A_5 : i32 to index
      %parallel_loop3A_147 = arith.constant 320 : index
      %parallel_loop3A_148 = tpu.vector_load %arg6[%parallel_loop3A_146, %parallel_loop3A_147] {strides = array<i32>} : memref<32x1024xi32, #tpu.memory_space<vmem>>, vector<16xi32>,
      %parallel_loop3A_149 = tpu.vector_load_idx %arg5[%parallel_loop3A_148] : memref<3984xf32, #tpu.memory_space<vmem>>[vector<16xi32>], vector<16xf32>,
      %parallel_loop3A_150 = arith.index_cast %parallel_loop3A_5 : i32 to index
      %parallel_loop3A_151 = arith.constant 320 : index
      %parallel_loop3A_152 = tpu.vector_load %arg7[%parallel_loop3A_150, %parallel_loop3A_151] {strides = array<i32>} : memref<32x1024xf32, #tpu.memory_space<vmem>>, vector<16xf32>,
      tpu.vector_store %arg7[%parallel_loop3A_150, %parallel_loop3A_151], %parallel_loop3A_149 {strides = array<i32>} : memref<32x1024xf32, #tpu.memory_space<vmem>>, vector<16xf32>,
      %parallel_loop3A_153 = arith.index_cast %parallel_loop3A_5 : i32 to index
      %parallel_loop3A_154 = arith.constant 336 : index
      %parallel_loop3A_155 = tpu.vector_load %arg6[%parallel_loop3A_153, %parallel_loop3A_154] {strides = array<i32>} : memref<32x1024xi32, #tpu.memory_space<vmem>>, vector<16xi32>,
      %parallel_loop3A_156 = tpu.vector_load_idx %arg5[%parallel_loop3A_155] : memref<3984xf32, #tpu.memory_space<vmem>>[vector<16xi32>], vector<16xf32>,
      %parallel_loop3A_157 = arith.index_cast %parallel_loop3A_5 : i32 to index
      %parallel_loop3A_158 = arith.constant 336 : index
      %parallel_loop3A_159 = tpu.vector_load %arg7[%parallel_loop3A_157, %parallel_loop3A_158] {strides = array<i32>} : memref<32x1024xf32, #tpu.memory_space<vmem>>, vector<16xf32>,
      tpu.vector_store %arg7[%parallel_loop3A_157, %parallel_loop3A_158], %parallel_loop3A_156 {strides = array<i32>} : memref<32x1024xf32, #tpu.memory_space<vmem>>, vector<16xf32>,
      %parallel_loop3A_160 = arith.index_cast %parallel_loop3A_5 : i32 to index
      %parallel_loop3A_161 = arith.constant 352 : index
      %parallel_loop3A_162 = tpu.vector_load %arg6[%parallel_loop3A_160, %parallel_loop3A_161] {strides = array<i32>} : memref<32x1024xi32, #tpu.memory_space<vmem>>, vector<16xi32>,
      %parallel_loop3A_163 = tpu.vector_load_idx %arg5[%parallel_loop3A_162] : memref<3984xf32, #tpu.memory_space<vmem>>[vector<16xi32>], vector<16xf32>,
      %parallel_loop3A_164 = arith.index_cast %parallel_loop3A_5 : i32 to index
      %parallel_loop3A_165 = arith.constant 352 : index
      %parallel_loop3A_166 = tpu.vector_load %arg7[%parallel_loop3A_164, %parallel_loop3A_165] {strides = array<i32>} : memref<32x1024xf32, #tpu.memory_space<vmem>>, vector<16xf32>,
      tpu.vector_store %arg7[%parallel_loop3A_164, %parallel_loop3A_165], %parallel_loop3A_163 {strides = array<i32>} : memref<32x1024xf32, #tpu.memory_space<vmem>>, vector<16xf32>,
      %parallel_loop3A_167 = arith.index_cast %parallel_loop3A_5 : i32 to index
      %parallel_loop3A_168 = arith.constant 368 : index
      %parallel_loop3A_169 = tpu.vector_load %arg6[%parallel_loop3A_167, %parallel_loop3A_168] {strides = array<i32>} : memref<32x1024xi32, #tpu.memory_space<vmem>>, vector<16xi32>,
      %parallel_loop3A_170 = tpu.vector_load_idx %arg5[%parallel_loop3A_169] : memref<3984xf32, #tpu.memory_space<vmem>>[vector<16xi32>], vector<16xf32>,
      %parallel_loop3A_171 = arith.index_cast %parallel_loop3A_5 : i32 to index
      %parallel_loop3A_172 = arith.constant 368 : index
      %parallel_loop3A_173 = tpu.vector_load %arg7[%parallel_loop3A_171, %parallel_loop3A_172] {strides = array<i32>} : memref<32x1024xf32, #tpu.memory_space<vmem>>, vector<16xf32>,
      tpu.vector_store %arg7[%parallel_loop3A_171, %parallel_loop3A_172], %parallel_loop3A_170 {strides = array<i32>} : memref<32x1024xf32, #tpu.memory_space<vmem>>, vector<16xf32>,
      %parallel_loop3A_174 = arith.index_cast %parallel_loop3A_5 : i32 to index
      %parallel_loop3A_175 = arith.constant 384 : index
      %parallel_loop3A_176 = tpu.vector_load %arg6[%parallel_loop3A_174, %parallel_loop3A_175] {strides = array<i32>} : memref<32x1024xi32, #tpu.memory_space<vmem>>, vector<16xi32>,
      %parallel_loop3A_177 = tpu.vector_load_idx %arg5[%parallel_loop3A_176] : memref<3984xf32, #tpu.memory_space<vmem>>[vector<16xi32>], vector<16xf32>,
      %parallel_loop3A_178 = arith.index_cast %parallel_loop3A_5 : i32 to index
      %parallel_loop3A_179 = arith.constant 384 : index
      %parallel_loop3A_180 = tpu.vector_load %arg7[%parallel_loop3A_178, %parallel_loop3A_179] {strides = array<i32>} : memref<32x1024xf32, #tpu.memory_space<vmem>>, vector<16xf32>,
      tpu.vector_store %arg7[%parallel_loop3A_178, %parallel_loop3A_179], %parallel_loop3A_177 {strides = array<i32>} : memref<32x1024xf32, #tpu.memory_space<vmem>>, vector<16xf32>,
      %parallel_loop3A_181 = arith.index_cast %parallel_loop3A_5 : i32 to index
      %parallel_loop3A_182 = arith.constant 400 : index
      %parallel_loop3A_183 = tpu.vector_load %arg6[%parallel_loop3A_181, %parallel_loop3A_182] {strides = array<i32>} : memref<32x1024xi32, #tpu.memory_space<vmem>>, vector<16xi32>,
      %parallel_loop3A_184 = tpu.vector_load_idx %arg5[%parallel_loop3A_183] : memref<3984xf32, #tpu.memory_space<vmem>>[vector<16xi32>], vector<16xf32>,
      %parallel_loop3A_185 = arith.index_cast %parallel_loop3A_5 : i32 to index
      %parallel_loop3A_186 = arith.constant 400 : index
      %parallel_loop3A_187 = tpu.vector_load %arg7[%parallel_loop3A_185, %parallel_loop3A_186] {strides = array<i32>} : memref<32x1024xf32, #tpu.memory_space<vmem>>, vector<16xf32>,
      tpu.vector_store %arg7[%parallel_loop3A_185, %parallel_loop3A_186], %parallel_loop3A_184 {strides = array<i32>} : memref<32x1024xf32, #tpu.memory_space<vmem>>, vector<16xf32>,
      %parallel_loop3A_188 = arith.index_cast %parallel_loop3A_5 : i32 to index
      %parallel_loop3A_189 = arith.constant 416 : index
      %parallel_loop3A_190 = tpu.vector_load %arg6[%parallel_loop3A_188, %parallel_loop3A_189] {strides = array<i32>} : memref<32x1024xi32, #tpu.memory_space<vmem>>, vector<16xi32>,
      %parallel_loop3A_191 = tpu.vector_load_idx %arg5[%parallel_loop3A_190] : memref<3984xf32, #tpu.memory_space<vmem>>[vector<16xi32>], vector<16xf32>,
      %parallel_loop3A_192 = arith.index_cast %parallel_loop3A_5 : i32 to index
      %parallel_loop3A_193 = arith.constant 416 : index
      %parallel_loop3A_194 = tpu.vector_load %arg7[%parallel_loop3A_192, %parallel_loop3A_193] {strides = array<i32>} : memref<32x1024xf32, #tpu.memory_space<vmem>>, vector<16xf32>,
      tpu.vector_store %arg7[%parallel_loop3A_192, %parallel_loop3A_193], %parallel_loop3A_191 {strides = array<i32>} : memref<32x1024xf32, #tpu.memory_space<vmem>>, vector<16xf32>,
      %parallel_loop3A_195 = arith.index_cast %parallel_loop3A_5 : i32 to index
      %parallel_loop3A_196 = arith.constant 432 : index
      %parallel_loop3A_197 = tpu.vector_load %arg6[%parallel_loop3A_195, %parallel_loop3A_196] {strides = array<i32>} : memref<32x1024xi32, #tpu.memory_space<vmem>>, vector<16xi32>,
      %parallel_loop3A_198 = tpu.vector_load_idx %arg5[%parallel_loop3A_197] : memref<3984xf32, #tpu.memory_space<vmem>>[vector<16xi32>], vector<16xf32>,
      %parallel_loop3A_199 = arith.index_cast %parallel_loop3A_5 : i32 to index
      %parallel_loop3A_200 = arith.constant 432 : index
      %parallel_loop3A_201 = tpu.vector_load %arg7[%parallel_loop3A_199, %parallel_loop3A_200] {strides = array<i32>} : memref<32x1024xf32, #tpu.memory_space<vmem>>, vector<16xf32>,
      tpu.vector_store %arg7[%parallel_loop3A_199, %parallel_loop3A_200], %parallel_loop3A_198 {strides = array<i32>} : memref<32x1024xf32, #tpu.memory_space<vmem>>, vector<16xf32>,
      %parallel_loop3A_202 = arith.index_cast %parallel_loop3A_5 : i32 to index
      %parallel_loop3A_203 = arith.constant 448 : index
      %parallel_loop3A_204 = tpu.vector_load %arg6[%parallel_loop3A_202, %parallel_loop3A_203] {strides = array<i32>} : memref<32x1024xi32, #tpu.memory_space<vmem>>, vector<16xi32>,
      %parallel_loop3A_205 = tpu.vector_load_idx %arg5[%parallel_loop3A_204] : memref<3984xf32, #tpu.memory_space<vmem>>[vector<16xi32>], vector<16xf32>,
      %parallel_loop3A_206 = arith.index_cast %parallel_loop3A_5 : i32 to index
      %parallel_loop3A_207 = arith.constant 448 : index
      %parallel_loop3A_208 = tpu.vector_load %arg7[%parallel_loop3A_206, %parallel_loop3A_207] {strides = array<i32>} : memref<32x1024xf32, #tpu.memory_space<vmem>>, vector<16xf32>,
      tpu.vector_store %arg7[%parallel_loop3A_206, %parallel_loop3A_207], %parallel_loop3A_205 {strides = array<i32>} : memref<32x1024xf32, #tpu.memory_space<vmem>>, vector<16xf32>,
      %parallel_loop3A_209 = arith.index_cast %parallel_loop3A_5 : i32 to index
      %parallel_loop3A_210 = arith.constant 464 : index
      %parallel_loop3A_211 = tpu.vector_load %arg6[%parallel_loop3A_209, %parallel_loop3A_210] {strides = array<i32>} : memref<32x1024xi32, #tpu.memory_space<vmem>>, vector<16xi32>,
      %parallel_loop3A_212 = tpu.vector_load_idx %arg5[%parallel_loop3A_211] : memref<3984xf32, #tpu.memory_space<vmem>>[vector<16xi32>], vector<16xf32>,
      %parallel_loop3A_213 = arith.index_cast %parallel_loop3A_5 : i32 to index
      %parallel_loop3A_214 = arith.constant 464 : index
      %parallel_loop3A_215 = tpu.vector_load %arg7[%parallel_loop3A_213, %parallel_loop3A_214] {strides = array<i32>} : memref<32x1024xf32, #tpu.memory_space<vmem>>, vector<16xf32>,
      tpu.vector_store %arg7[%parallel_loop3A_213, %parallel_loop3A_214], %parallel_loop3A_212 {strides = array<i32>} : memref<32x1024xf32, #tpu.memory_space<vmem>>, vector<16xf32>,
      %parallel_loop3A_216 = arith.index_cast %parallel_loop3A_5 : i32 to index
      %parallel_loop3A_217 = arith.constant 480 : index
      %parallel_loop3A_218 = tpu.vector_load %arg6[%parallel_loop3A_216, %parallel_loop3A_217] {strides = array<i32>} : memref<32x1024xi32, #tpu.memory_space<vmem>>, vector<16xi32>,
      %parallel_loop3A_219 = tpu.vector_load_idx %arg5[%parallel_loop3A_218] : memref<3984xf32, #tpu.memory_space<vmem>>[vector<16xi32>], vector<16xf32>,
      %parallel_loop3A_220 = arith.index_cast %parallel_loop3A_5 : i32 to index
      %parallel_loop3A_221 = arith.constant 480 : index
      %parallel_loop3A_222 = tpu.vector_load %arg7[%parallel_loop3A_220, %parallel_loop3A_221] {strides = array<i32>} : memref<32x1024xf32, #tpu.memory_space<vmem>>, vector<16xf32>,
      tpu.vector_store %arg7[%parallel_loop3A_220, %parallel_loop3A_221], %parallel_loop3A_219 {strides = array<i32>} : memref<32x1024xf32, #tpu.memory_space<vmem>>, vector<16xf32>,
      %parallel_loop3A_223 = arith.index_cast %parallel_loop3A_5 : i32 to index
      %parallel_loop3A_224 = arith.constant 496 : index
      %parallel_loop3A_225 = tpu.vector_load %arg6[%parallel_loop3A_223, %parallel_loop3A_224] {strides = array<i32>} : memref<32x1024xi32, #tpu.memory_space<vmem>>, vector<16xi32>,
      %parallel_loop3A_226 = tpu.vector_load_idx %arg5[%parallel_loop3A_225] : memref<3984xf32, #tpu.memory_space<vmem>>[vector<16xi32>], vector<16xf32>,
      %parallel_loop3A_227 = arith.index_cast %parallel_loop3A_5 : i32 to index
      %parallel_loop3A_228 = arith.constant 496 : index
      %parallel_loop3A_229 = tpu.vector_load %arg7[%parallel_loop3A_227, %parallel_loop3A_228] {strides = array<i32>} : memref<32x1024xf32, #tpu.memory_space<vmem>>, vector<16xf32>,
      tpu.vector_store %arg7[%parallel_loop3A_227, %parallel_loop3A_228], %parallel_loop3A_226 {strides = array<i32>} : memref<32x1024xf32, #tpu.memory_space<vmem>>, vector<16xf32>,
      %parallel_loop3A_230 = arith.index_cast %parallel_loop3A_5 : i32 to index
      %parallel_loop3A_231 = arith.constant 512 : index
      %parallel_loop3A_232 = tpu.vector_load %arg6[%parallel_loop3A_230, %parallel_loop3A_231] {strides = array<i32>} : memref<32x1024xi32, #tpu.memory_space<vmem>>, vector<16xi32>,
      %parallel_loop3A_233 = tpu.vector_load_idx %arg5[%parallel_loop3A_232] : memref<3984xf32, #tpu.memory_space<vmem>>[vector<16xi32>], vector<16xf32>,
      %parallel_loop3A_234 = arith.index_cast %parallel_loop3A_5 : i32 to index
      %parallel_loop3A_235 = arith.constant 512 : index
      %parallel_loop3A_236 = tpu.vector_load %arg7[%parallel_loop3A_234, %parallel_loop3A_235] {strides = array<i32>} : memref<32x1024xf32, #tpu.memory_space<vmem>>, vector<16xf32>,
      tpu.vector_store %arg7[%parallel_loop3A_234, %parallel_loop3A_235], %parallel_loop3A_233 {strides = array<i32>} : memref<32x1024xf32, #tpu.memory_space<vmem>>, vector<16xf32>,
      %parallel_loop3A_237 = arith.index_cast %parallel_loop3A_5 : i32 to index
      %parallel_loop3A_238 = arith.constant 528 : index
      %parallel_loop3A_239 = tpu.vector_load %arg6[%parallel_loop3A_237, %parallel_loop3A_238] {strides = array<i32>} : memref<32x1024xi32, #tpu.memory_space<vmem>>, vector<16xi32>,
      %parallel_loop3A_240 = tpu.vector_load_idx %arg5[%parallel_loop3A_239] : memref<3984xf32, #tpu.memory_space<vmem>>[vector<16xi32>], vector<16xf32>,
      %parallel_loop3A_241 = arith.index_cast %parallel_loop3A_5 : i32 to index
      %parallel_loop3A_242 = arith.constant 528 : index
      %parallel_loop3A_243 = tpu.vector_load %arg7[%parallel_loop3A_241, %parallel_loop3A_242] {strides = array<i32>} : memref<32x1024xf32, #tpu.memory_space<vmem>>, vector<16xf32>,
      tpu.vector_store %arg7[%parallel_loop3A_241, %parallel_loop3A_242], %parallel_loop3A_240 {strides = array<i32>} : memref<32x1024xf32, #tpu.memory_space<vmem>>, vector<16xf32>,
      %parallel_loop3A_244 = arith.index_cast %parallel_loop3A_5 : i32 to index
      %parallel_loop3A_245 = arith.constant 544 : index
      %parallel_loop3A_246 = tpu.vector_load %arg6[%parallel_loop3A_244, %parallel_loop3A_245] {strides = array<i32>} : memref<32x1024xi32, #tpu.memory_space<vmem>>, vector<16xi32>,
      %parallel_loop3A_247 = tpu.vector_load_idx %arg5[%parallel_loop3A_246] : memref<3984xf32, #tpu.memory_space<vmem>>[vector<16xi32>], vector<16xf32>,
      %parallel_loop3A_248 = arith.index_cast %parallel_loop3A_5 : i32 to index
      %parallel_loop3A_249 = arith.constant 544 : index
      %parallel_loop3A_250 = tpu.vector_load %arg7[%parallel_loop3A_248, %parallel_loop3A_249] {strides = array<i32>} : memref<32x1024xf32, #tpu.memory_space<vmem>>, vector<16xf32>,
      tpu.vector_store %arg7[%parallel_loop3A_248, %parallel_loop3A_249], %parallel_loop3A_247 {strides = array<i32>} : memref<32x1024xf32, #tpu.memory_space<vmem>>, vector<16xf32>,
      %parallel_loop3A_251 = arith.index_cast %parallel_loop3A_5 : i32 to index
      %parallel_loop3A_252 = arith.constant 560 : index
      %parallel_loop3A_253 = tpu.vector_load %arg6[%parallel_loop3A_251, %parallel_loop3A_252] {strides = array<i32>} : memref<32x1024xi32, #tpu.memory_space<vmem>>, vector<16xi32>,
      %parallel_loop3A_254 = tpu.vector_load_idx %arg5[%parallel_loop3A_253] : memref<3984xf32, #tpu.memory_space<vmem>>[vector<16xi32>], vector<16xf32>,
      %parallel_loop3A_255 = arith.index_cast %parallel_loop3A_5 : i32 to index
      %parallel_loop3A_256 = arith.constant 560 : index
      %parallel_loop3A_257 = tpu.vector_load %arg7[%parallel_loop3A_255, %parallel_loop3A_256] {strides = array<i32>} : memref<32x1024xf32, #tpu.memory_space<vmem>>, vector<16xf32>,
      tpu.vector_store %arg7[%parallel_loop3A_255, %parallel_loop3A_256], %parallel_loop3A_254 {strides = array<i32>} : memref<32x1024xf32, #tpu.memory_space<vmem>>, vector<16xf32>,
      %parallel_loop3A_258 = arith.index_cast %parallel_loop3A_5 : i32 to index
      %parallel_loop3A_259 = arith.constant 576 : index
      %parallel_loop3A_260 = tpu.vector_load %arg6[%parallel_loop3A_258, %parallel_loop3A_259] {strides = array<i32>} : memref<32x1024xi32, #tpu.memory_space<vmem>>, vector<16xi32>,
      %parallel_loop3A_261 = tpu.vector_load_idx %arg5[%parallel_loop3A_260] : memref<3984xf32, #tpu.memory_space<vmem>>[vector<16xi32>], vector<16xf32>,
      %parallel_loop3A_262 = arith.index_cast %parallel_loop3A_5 : i32 to index
      %parallel_loop3A_263 = arith.constant 576 : index
      %parallel_loop3A_264 = tpu.vector_load %arg7[%parallel_loop3A_262, %parallel_loop3A_263] {strides = array<i32>} : memref<32x1024xf32, #tpu.memory_space<vmem>>, vector<16xf32>,
      tpu.vector_store %arg7[%parallel_loop3A_262, %parallel_loop3A_263], %parallel_loop3A_261 {strides = array<i32>} : memref<32x1024xf32, #tpu.memory_space<vmem>>, vector<16xf32>,
      %parallel_loop3A_265 = arith.index_cast %parallel_loop3A_5 : i32 to index
      %parallel_loop3A_266 = arith.constant 592 : index
      %parallel_loop3A_267 = tpu.vector_load %arg6[%parallel_loop3A_265, %parallel_loop3A_266] {strides = array<i32>} : memref<32x1024xi32, #tpu.memory_space<vmem>>, vector<16xi32>,
      %parallel_loop3A_268 = tpu.vector_load_idx %arg5[%parallel_loop3A_267] : memref<3984xf32, #tpu.memory_space<vmem>>[vector<16xi32>], vector<16xf32>,
      %parallel_loop3A_269 = arith.index_cast %parallel_loop3A_5 : i32 to index
      %parallel_loop3A_270 = arith.constant 592 : index
      %parallel_loop3A_271 = tpu.vector_load %arg7[%parallel_loop3A_269, %parallel_loop3A_270] {strides = array<i32>} : memref<32x1024xf32, #tpu.memory_space<vmem>>, vector<16xf32>,
      tpu.vector_store %arg7[%parallel_loop3A_269, %parallel_loop3A_270], %parallel_loop3A_268 {strides = array<i32>} : memref<32x1024xf32, #tpu.memory_space<vmem>>, vector<16xf32>,
      %parallel_loop3A_272 = arith.index_cast %parallel_loop3A_5 : i32 to index
      %parallel_loop3A_273 = arith.constant 608 : index
      %parallel_loop3A_274 = tpu.vector_load %arg6[%parallel_loop3A_272, %parallel_loop3A_273] {strides = array<i32>} : memref<32x1024xi32, #tpu.memory_space<vmem>>, vector<16xi32>,
      %parallel_loop3A_275 = tpu.vector_load_idx %arg5[%parallel_loop3A_274] : memref<3984xf32, #tpu.memory_space<vmem>>[vector<16xi32>], vector<16xf32>,
      %parallel_loop3A_276 = arith.index_cast %parallel_loop3A_5 : i32 to index
      %parallel_loop3A_277 = arith.constant 608 : index
      %parallel_loop3A_278 = tpu.vector_load %arg7[%parallel_loop3A_276, %parallel_loop3A_277] {strides = array<i32>} : memref<32x1024xf32, #tpu.memory_space<vmem>>, vector<16xf32>,
      tpu.vector_store %arg7[%parallel_loop3A_276, %parallel_loop3A_277], %parallel_loop3A_275 {strides = array<i32>} : memref<32x1024xf32, #tpu.memory_space<vmem>>, vector<16xf32>,
      %parallel_loop3A_279 = arith.index_cast %parallel_loop3A_5 : i32 to index
      %parallel_loop3A_280 = arith.constant 624 : index
      %parallel_loop3A_281 = tpu.vector_load %arg6[%parallel_loop3A_279, %parallel_loop3A_280] {strides = array<i32>} : memref<32x1024xi32, #tpu.memory_space<vmem>>, vector<16xi32>,
      %parallel_loop3A_282 = tpu.vector_load_idx %arg5[%parallel_loop3A_281] : memref<3984xf32, #tpu.memory_space<vmem>>[vector<16xi32>], vector<16xf32>,
      %parallel_loop3A_283 = arith.index_cast %parallel_loop3A_5 : i32 to index
      %parallel_loop3A_284 = arith.constant 624 : index
      %parallel_loop3A_285 = tpu.vector_load %arg7[%parallel_loop3A_283, %parallel_loop3A_284] {strides = array<i32>} : memref<32x1024xf32, #tpu.memory_space<vmem>>, vector<16xf32>,
      tpu.vector_store %arg7[%parallel_loop3A_283, %parallel_loop3A_284], %parallel_loop3A_282 {strides = array<i32>} : memref<32x1024xf32, #tpu.memory_space<vmem>>, vector<16xf32>,
      %parallel_loop3A_286 = arith.index_cast %parallel_loop3A_5 : i32 to index
      %parallel_loop3A_287 = arith.constant 640 : index
      %parallel_loop3A_288 = tpu.vector_load %arg6[%parallel_loop3A_286, %parallel_loop3A_287] {strides = array<i32>} : memref<32x1024xi32, #tpu.memory_space<vmem>>, vector<16xi32>,
      %parallel_loop3A_289 = tpu.vector_load_idx %arg5[%parallel_loop3A_288] : memref<3984xf32, #tpu.memory_space<vmem>>[vector<16xi32>], vector<16xf32>,
      %parallel_loop3A_290 = arith.index_cast %parallel_loop3A_5 : i32 to index
      %parallel_loop3A_291 = arith.constant 640 : index
      %parallel_loop3A_292 = tpu.vector_load %arg7[%parallel_loop3A_290, %parallel_loop3A_291] {strides = array<i32>} : memref<32x1024xf32, #tpu.memory_space<vmem>>, vector<16xf32>,
      tpu.vector_store %arg7[%parallel_loop3A_290, %parallel_loop3A_291], %parallel_loop3A_289 {strides = array<i32>} : memref<32x1024xf32, #tpu.memory_space<vmem>>, vector<16xf32>,
      %parallel_loop3A_293 = arith.index_cast %parallel_loop3A_5 : i32 to index
      %parallel_loop3A_294 = arith.constant 656 : index
      %parallel_loop3A_295 = tpu.vector_load %arg6[%parallel_loop3A_293, %parallel_loop3A_294] {strides = array<i32>} : memref<32x1024xi32, #tpu.memory_space<vmem>>, vector<16xi32>,
      %parallel_loop3A_296 = tpu.vector_load_idx %arg5[%parallel_loop3A_295] : memref<3984xf32, #tpu.memory_space<vmem>>[vector<16xi32>], vector<16xf32>,
      %parallel_loop3A_297 = arith.index_cast %parallel_loop3A_5 : i32 to index
      %parallel_loop3A_298 = arith.constant 656 : index
      %parallel_loop3A_299 = tpu.vector_load %arg7[%parallel_loop3A_297, %parallel_loop3A_298] {strides = array<i32>} : memref<32x1024xf32, #tpu.memory_space<vmem>>, vector<16xf32>,
      tpu.vector_store %arg7[%parallel_loop3A_297, %parallel_loop3A_298], %parallel_loop3A_296 {strides = array<i32>} : memref<32x1024xf32, #tpu.memory_space<vmem>>, vector<16xf32>,
      %parallel_loop3A_300 = arith.index_cast %parallel_loop3A_5 : i32 to index
      %parallel_loop3A_301 = arith.constant 672 : index
      %parallel_loop3A_302 = tpu.vector_load %arg6[%parallel_loop3A_300, %parallel_loop3A_301] {strides = array<i32>} : memref<32x1024xi32, #tpu.memory_space<vmem>>, vector<16xi32>,
      %parallel_loop3A_303 = tpu.vector_load_idx %arg5[%parallel_loop3A_302] : memref<3984xf32, #tpu.memory_space<vmem>>[vector<16xi32>], vector<16xf32>,
      %parallel_loop3A_304 = arith.index_cast %parallel_loop3A_5 : i32 to index
      %parallel_loop3A_305 = arith.constant 672 : index
      %parallel_loop3A_306 = tpu.vector_load %arg7[%parallel_loop3A_304, %parallel_loop3A_305] {strides = array<i32>} : memref<32x1024xf32, #tpu.memory_space<vmem>>, vector<16xf32>,
      tpu.vector_store %arg7[%parallel_loop3A_304, %parallel_loop3A_305], %parallel_loop3A_303 {strides = array<i32>} : memref<32x1024xf32, #tpu.memory_space<vmem>>, vector<16xf32>,
      %parallel_loop3A_307 = arith.index_cast %parallel_loop3A_5 : i32 to index
      %parallel_loop3A_308 = arith.constant 688 : index
      %parallel_loop3A_309 = tpu.vector_load %arg6[%parallel_loop3A_307, %parallel_loop3A_308] {strides = array<i32>} : memref<32x1024xi32, #tpu.memory_space<vmem>>, vector<16xi32>,
      %parallel_loop3A_310 = tpu.vector_load_idx %arg5[%parallel_loop3A_309] : memref<3984xf32, #tpu.memory_space<vmem>>[vector<16xi32>], vector<16xf32>,
      %parallel_loop3A_311 = arith.index_cast %parallel_loop3A_5 : i32 to index
      %parallel_loop3A_312 = arith.constant 688 : index
      %parallel_loop3A_313 = tpu.vector_load %arg7[%parallel_loop3A_311, %parallel_loop3A_312] {strides = array<i32>} : memref<32x1024xf32, #tpu.memory_space<vmem>>, vector<16xf32>,
      tpu.vector_store %arg7[%parallel_loop3A_311, %parallel_loop3A_312], %parallel_loop3A_310 {strides = array<i32>} : memref<32x1024xf32, #tpu.memory_space<vmem>>, vector<16xf32>,
      %parallel_loop3A_314 = arith.index_cast %parallel_loop3A_5 : i32 to index
      %parallel_loop3A_315 = arith.constant 704 : index
      %parallel_loop3A_316 = tpu.vector_load %arg6[%parallel_loop3A_314, %parallel_loop3A_315] {strides = array<i32>} : memref<32x1024xi32, #tpu.memory_space<vmem>>, vector<16xi32>,
      %parallel_loop3A_317 = tpu.vector_load_idx %arg5[%parallel_loop3A_316] : memref<3984xf32, #tpu.memory_space<vmem>>[vector<16xi32>], vector<16xf32>,
      %parallel_loop3A_318 = arith.index_cast %parallel_loop3A_5 : i32 to index
      %parallel_loop3A_319 = arith.constant 704 : index
      %parallel_loop3A_320 = tpu.vector_load %arg7[%parallel_loop3A_318, %parallel_loop3A_319] {strides = array<i32>} : memref<32x1024xf32, #tpu.memory_space<vmem>>, vector<16xf32>,
      tpu.vector_store %arg7[%parallel_loop3A_318, %parallel_loop3A_319], %parallel_loop3A_317 {strides = array<i32>} : memref<32x1024xf32, #tpu.memory_space<vmem>>, vector<16xf32>,
      %parallel_loop3A_321 = arith.index_cast %parallel_loop3A_5 : i32 to index
      %parallel_loop3A_322 = arith.constant 720 : index
      %parallel_loop3A_323 = tpu.vector_load %arg6[%parallel_loop3A_321, %parallel_loop3A_322] {strides = array<i32>} : memref<32x1024xi32, #tpu.memory_space<vmem>>, vector<16xi32>,
      %parallel_loop3A_324 = tpu.vector_load_idx %arg5[%parallel_loop3A_323] : memref<3984xf32, #tpu.memory_space<vmem>>[vector<16xi32>], vector<16xf32>,
      %parallel_loop3A_325 = arith.index_cast %parallel_loop3A_5 : i32 to index
      %parallel_loop3A_326 = arith.constant 720 : index
      %parallel_loop3A_327 = tpu.vector_load %arg7[%parallel_loop3A_325, %parallel_loop3A_326] {strides = array<i32>} : memref<32x1024xf32, #tpu.memory_space<vmem>>, vector<16xf32>,
      tpu.vector_store %arg7[%parallel_loop3A_325, %parallel_loop3A_326], %parallel_loop3A_324 {strides = array<i32>} : memref<32x1024xf32, #tpu.memory_space<vmem>>, vector<16xf32>,
      %parallel_loop3A_328 = arith.index_cast %parallel_loop3A_5 : i32 to index
      %parallel_loop3A_329 = arith.constant 736 : index
      %parallel_loop3A_330 = tpu.vector_load %arg6[%parallel_loop3A_328, %parallel_loop3A_329] {strides = array<i32>} : memref<32x1024xi32, #tpu.memory_space<vmem>>, vector<16xi32>,
      %parallel_loop3A_331 = tpu.vector_load_idx %arg5[%parallel_loop3A_330] : memref<3984xf32, #tpu.memory_space<vmem>>[vector<16xi32>], vector<16xf32>,
      %parallel_loop3A_332 = arith.index_cast %parallel_loop3A_5 : i32 to index
      %parallel_loop3A_333 = arith.constant 736 : index
      %parallel_loop3A_334 = tpu.vector_load %arg7[%parallel_loop3A_332, %parallel_loop3A_333] {strides = array<i32>} : memref<32x1024xf32, #tpu.memory_space<vmem>>, vector<16xf32>,
      tpu.vector_store %arg7[%parallel_loop3A_332, %parallel_loop3A_333], %parallel_loop3A_331 {strides = array<i32>} : memref<32x1024xf32, #tpu.memory_space<vmem>>, vector<16xf32>,
      %parallel_loop3A_335 = arith.index_cast %parallel_loop3A_5 : i32 to index
      %parallel_loop3A_336 = arith.constant 752 : index
      %parallel_loop3A_337 = tpu.vector_load %arg6[%parallel_loop3A_335, %parallel_loop3A_336] {strides = array<i32>} : memref<32x1024xi32, #tpu.memory_space<vmem>>, vector<16xi32>,
      %parallel_loop3A_338 = tpu.vector_load_idx %arg5[%parallel_loop3A_337] : memref<3984xf32, #tpu.memory_space<vmem>>[vector<16xi32>], vector<16xf32>,
      %parallel_loop3A_339 = arith.index_cast %parallel_loop3A_5 : i32 to index
      %parallel_loop3A_340 = arith.constant 752 : index
      %parallel_loop3A_341 = tpu.vector_load %arg7[%parallel_loop3A_339, %parallel_loop3A_340] {strides = array<i32>} : memref<32x1024xf32, #tpu.memory_space<vmem>>, vector<16xf32>,
      tpu.vector_store %arg7[%parallel_loop3A_339, %parallel_loop3A_340], %parallel_loop3A_338 {strides = array<i32>} : memref<32x1024xf32, #tpu.memory_space<vmem>>, vector<16xf32>,
      %parallel_loop3A_342 = arith.index_cast %parallel_loop3A_5 : i32 to index
      %parallel_loop3A_343 = arith.constant 768 : index
      %parallel_loop3A_344 = tpu.vector_load %arg6[%parallel_loop3A_342, %parallel_loop3A_343] {strides = array<i32>} : memref<32x1024xi32, #tpu.memory_space<vmem>>, vector<16xi32>,
      %parallel_loop3A_345 = tpu.vector_load_idx %arg5[%parallel_loop3A_344] : memref<3984xf32, #tpu.memory_space<vmem>>[vector<16xi32>], vector<16xf32>,
      %parallel_loop3A_346 = arith.index_cast %parallel_loop3A_5 : i32 to index
      %parallel_loop3A_347 = arith.constant 768 : index
      %parallel_loop3A_348 = tpu.vector_load %arg7[%parallel_loop3A_346, %parallel_loop3A_347] {strides = array<i32>} : memref<32x1024xf32, #tpu.memory_space<vmem>>, vector<16xf32>,
      tpu.vector_store %arg7[%parallel_loop3A_346, %parallel_loop3A_347], %parallel_loop3A_345 {strides = array<i32>} : memref<32x1024xf32, #tpu.memory_space<vmem>>, vector<16xf32>,
      %parallel_loop3A_349 = arith.index_cast %parallel_loop3A_5 : i32 to index
      %parallel_loop3A_350 = arith.constant 784 : index
      %parallel_loop3A_351 = tpu.vector_load %arg6[%parallel_loop3A_349, %parallel_loop3A_350] {strides = array<i32>} : memref<32x1024xi32, #tpu.memory_space<vmem>>, vector<16xi32>,
      %parallel_loop3A_352 = tpu.vector_load_idx %arg5[%parallel_loop3A_351] : memref<3984xf32, #tpu.memory_space<vmem>>[vector<16xi32>], vector<16xf32>,
      %parallel_loop3A_353 = arith.index_cast %parallel_loop3A_5 : i32 to index
      %parallel_loop3A_354 = arith.constant 784 : index
      %parallel_loop3A_355 = tpu.vector_load %arg7[%parallel_loop3A_353, %parallel_loop3A_354] {strides = array<i32>} : memref<32x1024xf32, #tpu.memory_space<vmem>>, vector<16xf32>,
      tpu.vector_store %arg7[%parallel_loop3A_353, %parallel_loop3A_354], %parallel_loop3A_352 {strides = array<i32>} : memref<32x1024xf32, #tpu.memory_space<vmem>>, vector<16xf32>,
      %parallel_loop3A_356 = arith.index_cast %parallel_loop3A_5 : i32 to index
      %parallel_loop3A_357 = arith.constant 800 : index
      %parallel_loop3A_358 = tpu.vector_load %arg6[%parallel_loop3A_356, %parallel_loop3A_357] {strides = array<i32>} : memref<32x1024xi32, #tpu.memory_space<vmem>>, vector<16xi32>,
      %parallel_loop3A_359 = tpu.vector_load_idx %arg5[%parallel_loop3A_358] : memref<3984xf32, #tpu.memory_space<vmem>>[vector<16xi32>], vector<16xf32>,
      %parallel_loop3A_360 = arith.index_cast %parallel_loop3A_5 : i32 to index
      %parallel_loop3A_361 = arith.constant 800 : index
      %parallel_loop3A_362 = tpu.vector_load %arg7[%parallel_loop3A_360, %parallel_loop3A_361] {strides = array<i32>} : memref<32x1024xf32, #tpu.memory_space<vmem>>, vector<16xf32>,
      tpu.vector_store %arg7[%parallel_loop3A_360, %parallel_loop3A_361], %parallel_loop3A_359 {strides = array<i32>} : memref<32x1024xf32, #tpu.memory_space<vmem>>, vector<16xf32>,
      %parallel_loop3A_363 = arith.index_cast %parallel_loop3A_5 : i32 to index
      %parallel_loop3A_364 = arith.constant 816 : index
      %parallel_loop3A_365 = tpu.vector_load %arg6[%parallel_loop3A_363, %parallel_loop3A_364] {strides = array<i32>} : memref<32x1024xi32, #tpu.memory_space<vmem>>, vector<16xi32>,
      %parallel_loop3A_366 = tpu.vector_load_idx %arg5[%parallel_loop3A_365] : memref<3984xf32, #tpu.memory_space<vmem>>[vector<16xi32>], vector<16xf32>,
      %parallel_loop3A_367 = arith.index_cast %parallel_loop3A_5 : i32 to index
      %parallel_loop3A_368 = arith.constant 816 : index
      %parallel_loop3A_369 = tpu.vector_load %arg7[%parallel_loop3A_367, %parallel_loop3A_368] {strides = array<i32>} : memref<32x1024xf32, #tpu.memory_space<vmem>>, vector<16xf32>,
      tpu.vector_store %arg7[%parallel_loop3A_367, %parallel_loop3A_368], %parallel_loop3A_366 {strides = array<i32>} : memref<32x1024xf32, #tpu.memory_space<vmem>>, vector<16xf32>,
      %parallel_loop3A_370 = arith.index_cast %parallel_loop3A_5 : i32 to index
      %parallel_loop3A_371 = arith.constant 832 : index
      %parallel_loop3A_372 = tpu.vector_load %arg6[%parallel_loop3A_370, %parallel_loop3A_371] {strides = array<i32>} : memref<32x1024xi32, #tpu.memory_space<vmem>>, vector<16xi32>,
      %parallel_loop3A_373 = tpu.vector_load_idx %arg5[%parallel_loop3A_372] : memref<3984xf32, #tpu.memory_space<vmem>>[vector<16xi32>], vector<16xf32>,
      %parallel_loop3A_374 = arith.index_cast %parallel_loop3A_5 : i32 to index
      %parallel_loop3A_375 = arith.constant 832 : index
      %parallel_loop3A_376 = tpu.vector_load %arg7[%parallel_loop3A_374, %parallel_loop3A_375] {strides = array<i32>} : memref<32x1024xf32, #tpu.memory_space<vmem>>, vector<16xf32>,
      tpu.vector_store %arg7[%parallel_loop3A_374, %parallel_loop3A_375], %parallel_loop3A_373 {strides = array<i32>} : memref<32x1024xf32, #tpu.memory_space<vmem>>, vector<16xf32>,
      %parallel_loop3A_377 = arith.index_cast %parallel_loop3A_5 : i32 to index
      %parallel_loop3A_378 = arith.constant 848 : index
      %parallel_loop3A_379 = tpu.vector_load %arg6[%parallel_loop3A_377, %parallel_loop3A_378] {strides = array<i32>} : memref<32x1024xi32, #tpu.memory_space<vmem>>, vector<16xi32>,
      %parallel_loop3A_380 = tpu.vector_load_idx %arg5[%parallel_loop3A_379] : memref<3984xf32, #tpu.memory_space<vmem>>[vector<16xi32>], vector<16xf32>,
      %parallel_loop3A_381 = arith.index_cast %parallel_loop3A_5 : i32 to index
      %parallel_loop3A_382 = arith.constant 848 : index
      %parallel_loop3A_383 = tpu.vector_load %arg7[%parallel_loop3A_381, %parallel_loop3A_382] {strides = array<i32>} : memref<32x1024xf32, #tpu.memory_space<vmem>>, vector<16xf32>,
      tpu.vector_store %arg7[%parallel_loop3A_381, %parallel_loop3A_382], %parallel_loop3A_380 {strides = array<i32>} : memref<32x1024xf32, #tpu.memory_space<vmem>>, vector<16xf32>,
      %parallel_loop3A_384 = arith.index_cast %parallel_loop3A_5 : i32 to index
      %parallel_loop3A_385 = arith.constant 864 : index
      %parallel_loop3A_386 = tpu.vector_load %arg6[%parallel_loop3A_384, %parallel_loop3A_385] {strides = array<i32>} : memref<32x1024xi32, #tpu.memory_space<vmem>>, vector<16xi32>,
      %parallel_loop3A_387 = tpu.vector_load_idx %arg5[%parallel_loop3A_386] : memref<3984xf32, #tpu.memory_space<vmem>>[vector<16xi32>], vector<16xf32>,
      %parallel_loop3A_388 = arith.index_cast %parallel_loop3A_5 : i32 to index
      %parallel_loop3A_389 = arith.constant 864 : index
      %parallel_loop3A_390 = tpu.vector_load %arg7[%parallel_loop3A_388, %parallel_loop3A_389] {strides = array<i32>} : memref<32x1024xf32, #tpu.memory_space<vmem>>, vector<16xf32>,
      tpu.vector_store %arg7[%parallel_loop3A_388, %parallel_loop3A_389], %parallel_loop3A_387 {strides = array<i32>} : memref<32x1024xf32, #tpu.memory_space<vmem>>, vector<16xf32>,
      %parallel_loop3A_391 = arith.index_cast %parallel_loop3A_5 : i32 to index
      %parallel_loop3A_392 = arith.constant 880 : index
      %parallel_loop3A_393 = tpu.vector_load %arg6[%parallel_loop3A_391, %parallel_loop3A_392] {strides = array<i32>} : memref<32x1024xi32, #tpu.memory_space<vmem>>, vector<16xi32>,
      %parallel_loop3A_394 = tpu.vector_load_idx %arg5[%parallel_loop3A_393] : memref<3984xf32, #tpu.memory_space<vmem>>[vector<16xi32>], vector<16xf32>,
      %parallel_loop3A_395 = arith.index_cast %parallel_loop3A_5 : i32 to index
      %parallel_loop3A_396 = arith.constant 880 : index
      %parallel_loop3A_397 = tpu.vector_load %arg7[%parallel_loop3A_395, %parallel_loop3A_396] {strides = array<i32>} : memref<32x1024xf32, #tpu.memory_space<vmem>>, vector<16xf32>,
      tpu.vector_store %arg7[%parallel_loop3A_395, %parallel_loop3A_396], %parallel_loop3A_394 {strides = array<i32>} : memref<32x1024xf32, #tpu.memory_space<vmem>>, vector<16xf32>,
      %parallel_loop3A_398 = arith.index_cast %parallel_loop3A_5 : i32 to index
      %parallel_loop3A_399 = arith.constant 896 : index
      %parallel_loop3A_400 = tpu.vector_load %arg6[%parallel_loop3A_398, %parallel_loop3A_399] {strides = array<i32>} : memref<32x1024xi32, #tpu.memory_space<vmem>>, vector<16xi32>,
      %parallel_loop3A_401 = tpu.vector_load_idx %arg5[%parallel_loop3A_400] : memref<3984xf32, #tpu.memory_space<vmem>>[vector<16xi32>], vector<16xf32>,
      %parallel_loop3A_402 = arith.index_cast %parallel_loop3A_5 : i32 to index
      %parallel_loop3A_403 = arith.constant 896 : index
      %parallel_loop3A_404 = tpu.vector_load %arg7[%parallel_loop3A_402, %parallel_loop3A_403] {strides = array<i32>} : memref<32x1024xf32, #tpu.memory_space<vmem>>, vector<16xf32>,
      tpu.vector_store %arg7[%parallel_loop3A_402, %parallel_loop3A_403], %parallel_loop3A_401 {strides = array<i32>} : memref<32x1024xf32, #tpu.memory_space<vmem>>, vector<16xf32>,
      %parallel_loop3A_405 = arith.index_cast %parallel_loop3A_5 : i32 to index
      %parallel_loop3A_406 = arith.constant 912 : index
      %parallel_loop3A_407 = tpu.vector_load %arg6[%parallel_loop3A_405, %parallel_loop3A_406] {strides = array<i32>} : memref<32x1024xi32, #tpu.memory_space<vmem>>, vector<16xi32>,
      %parallel_loop3A_408 = tpu.vector_load_idx %arg5[%parallel_loop3A_407] : memref<3984xf32, #tpu.memory_space<vmem>>[vector<16xi32>], vector<16xf32>,
      %parallel_loop3A_409 = arith.index_cast %parallel_loop3A_5 : i32 to index
      %parallel_loop3A_410 = arith.constant 912 : index
      %parallel_loop3A_411 = tpu.vector_load %arg7[%parallel_loop3A_409, %parallel_loop3A_410] {strides = array<i32>} : memref<32x1024xf32, #tpu.memory_space<vmem>>, vector<16xf32>,
      tpu.vector_store %arg7[%parallel_loop3A_409, %parallel_loop3A_410], %parallel_loop3A_408 {strides = array<i32>} : memref<32x1024xf32, #tpu.memory_space<vmem>>, vector<16xf32>,
      %parallel_loop3A_412 = arith.index_cast %parallel_loop3A_5 : i32 to index
      %parallel_loop3A_413 = arith.constant 928 : index
      %parallel_loop3A_414 = tpu.vector_load %arg6[%parallel_loop3A_412, %parallel_loop3A_413] {strides = array<i32>} : memref<32x1024xi32, #tpu.memory_space<vmem>>, vector<16xi32>,
      %parallel_loop3A_415 = tpu.vector_load_idx %arg5[%parallel_loop3A_414] : memref<3984xf32, #tpu.memory_space<vmem>>[vector<16xi32>], vector<16xf32>,
      %parallel_loop3A_416 = arith.index_cast %parallel_loop3A_5 : i32 to index
      %parallel_loop3A_417 = arith.constant 928 : index
      %parallel_loop3A_418 = tpu.vector_load %arg7[%parallel_loop3A_416, %parallel_loop3A_417] {strides = array<i32>} : memref<32x1024xf32, #tpu.memory_space<vmem>>, vector<16xf32>,
      tpu.vector_store %arg7[%parallel_loop3A_416, %parallel_loop3A_417], %parallel_loop3A_415 {strides = array<i32>} : memref<32x1024xf32, #tpu.memory_space<vmem>>, vector<16xf32>,
      %parallel_loop3A_419 = arith.index_cast %parallel_loop3A_5 : i32 to index
      %parallel_loop3A_420 = arith.constant 944 : index
      %parallel_loop3A_421 = tpu.vector_load %arg6[%parallel_loop3A_419, %parallel_loop3A_420] {strides = array<i32>} : memref<32x1024xi32, #tpu.memory_space<vmem>>, vector<16xi32>,
      %parallel_loop3A_422 = tpu.vector_load_idx %arg5[%parallel_loop3A_421] : memref<3984xf32, #tpu.memory_space<vmem>>[vector<16xi32>], vector<16xf32>,
      %parallel_loop3A_423 = arith.index_cast %parallel_loop3A_5 : i32 to index
      %parallel_loop3A_424 = arith.constant 944 : index
      %parallel_loop3A_425 = tpu.vector_load %arg7[%parallel_loop3A_423, %parallel_loop3A_424] {strides = array<i32>} : memref<32x1024xf32, #tpu.memory_space<vmem>>, vector<16xf32>,
      tpu.vector_store %arg7[%parallel_loop3A_423, %parallel_loop3A_424], %parallel_loop3A_422 {strides = array<i32>} : memref<32x1024xf32, #tpu.memory_space<vmem>>, vector<16xf32>,
      %parallel_loop3A_426 = arith.index_cast %parallel_loop3A_5 : i32 to index
      %parallel_loop3A_427 = arith.constant 960 : index
      %parallel_loop3A_428 = tpu.vector_load %arg6[%parallel_loop3A_426, %parallel_loop3A_427] {strides = array<i32>} : memref<32x1024xi32, #tpu.memory_space<vmem>>, vector<16xi32>,
      %parallel_loop3A_429 = tpu.vector_load_idx %arg5[%parallel_loop3A_428] : memref<3984xf32, #tpu.memory_space<vmem>>[vector<16xi32>], vector<16xf32>,
      %parallel_loop3A_430 = arith.index_cast %parallel_loop3A_5 : i32 to index
      %parallel_loop3A_431 = arith.constant 960 : index
      %parallel_loop3A_432 = tpu.vector_load %arg7[%parallel_loop3A_430, %parallel_loop3A_431] {strides = array<i32>} : memref<32x1024xf32, #tpu.memory_space<vmem>>, vector<16xf32>,
      tpu.vector_store %arg7[%parallel_loop3A_430, %parallel_loop3A_431], %parallel_loop3A_429 {strides = array<i32>} : memref<32x1024xf32, #tpu.memory_space<vmem>>, vector<16xf32>,
      %parallel_loop3A_433 = arith.index_cast %parallel_loop3A_5 : i32 to index
      %parallel_loop3A_434 = arith.constant 976 : index
      %parallel_loop3A_435 = tpu.vector_load %arg6[%parallel_loop3A_433, %parallel_loop3A_434] {strides = array<i32>} : memref<32x1024xi32, #tpu.memory_space<vmem>>, vector<16xi32>,
      %parallel_loop3A_436 = tpu.vector_load_idx %arg5[%parallel_loop3A_435] : memref<3984xf32, #tpu.memory_space<vmem>>[vector<16xi32>], vector<16xf32>,
      %parallel_loop3A_437 = arith.index_cast %parallel_loop3A_5 : i32 to index
      %parallel_loop3A_438 = arith.constant 976 : index
      %parallel_loop3A_439 = tpu.vector_load %arg7[%parallel_loop3A_437, %parallel_loop3A_438] {strides = array<i32>} : memref<32x1024xf32, #tpu.memory_space<vmem>>, vector<16xf32>,
      tpu.vector_store %arg7[%parallel_loop3A_437, %parallel_loop3A_438], %parallel_loop3A_436 {strides = array<i32>} : memref<32x1024xf32, #tpu.memory_space<vmem>>, vector<16xf32>,
      %parallel_loop3A_440 = arith.index_cast %parallel_loop3A_5 : i32 to index
      %parallel_loop3A_441 = arith.constant 992 : index
      %parallel_loop3A_442 = tpu.vector_load %arg6[%parallel_loop3A_440, %parallel_loop3A_441] {strides = array<i32>} : memref<32x1024xi32, #tpu.memory_space<vmem>>, vector<16xi32>,
      %parallel_loop3A_443 = tpu.vector_load_idx %arg5[%parallel_loop3A_442] : memref<3984xf32, #tpu.memory_space<vmem>>[vector<16xi32>], vector<16xf32>,
      %parallel_loop3A_444 = arith.index_cast %parallel_loop3A_5 : i32 to index
      %parallel_loop3A_445 = arith.constant 992 : index
      %parallel_loop3A_446 = tpu.vector_load %arg7[%parallel_loop3A_444, %parallel_loop3A_445] {strides = array<i32>} : memref<32x1024xf32, #tpu.memory_space<vmem>>, vector<16xf32>,
      tpu.vector_store %arg7[%parallel_loop3A_444, %parallel_loop3A_445], %parallel_loop3A_443 {strides = array<i32>} : memref<32x1024xf32, #tpu.memory_space<vmem>>, vector<16xf32>,
      %parallel_loop3A_447 = arith.index_cast %parallel_loop3A_5 : i32 to index
      %parallel_loop3A_448 = arith.constant 1008 : index
      %parallel_loop3A_449 = tpu.vector_load %arg6[%parallel_loop3A_447, %parallel_loop3A_448] {strides = array<i32>} : memref<32x1024xi32, #tpu.memory_space<vmem>>, vector<16xi32>,
      %parallel_loop3A_450 = tpu.vector_load_idx %arg5[%parallel_loop3A_449] : memref<3984xf32, #tpu.memory_space<vmem>>[vector<16xi32>], vector<16xf32>,
      %parallel_loop3A_451 = arith.index_cast %parallel_loop3A_5 : i32 to index
      %parallel_loop3A_452 = arith.constant 1008 : index
      %parallel_loop3A_453 = tpu.vector_load %arg7[%parallel_loop3A_451, %parallel_loop3A_452] {strides = array<i32>} : memref<32x1024xf32, #tpu.memory_space<vmem>>, vector<16xf32>,
      tpu.vector_store %arg7[%parallel_loop3A_451, %parallel_loop3A_452], %parallel_loop3A_450 {strides = array<i32>} : memref<32x1024xf32, #tpu.memory_space<vmem>>, vector<16xf32>,
    } {sc.loop_unroll_factor = 1 : i64, sc.parallel_access}
    "tpu.region"() ({
      %run_scoped3A = tpu.sem_alloc : memref<!tpu.dma_semaphore, #tpu.memory_space<semaphore_mem>>
      %dma_start3A = arith.constant 0 : i32
      %dma_start3A_5 = tpu.memref_slice %arg4[%mul3A_2, %dma_start3A] : memref<1024x1024xf32, #tpu.memory_space<hbm>> -> memref<32x1024xf32, #tpu.memory_space<hbm>>
      %dma_start3A_6 = arith.constant 0 : i32
      %dma_start3A_7 = tpu.memref_slice %arg4[%mul3A_2, %dma_start3A_6] : memref<1024x1024xf32, #tpu.memory_space<hbm>> -> memref<32x1024xf32, #tpu.memory_space<hbm>>
      tpu.enqueue_dma source(%arg7 : memref<32x1024xf32, #tpu.memory_space<vmem>>) target(%dma_start3A_7 : memref<32x1024xf32, #tpu.memory_space<hbm>>) target_semaphore(%run_scoped3A : memref<!tpu.dma_semaphore, #tpu.memory_space<semaphore_mem>>)
      %dma_wait3A = arith.constant 0 : i32
      %dma_wait3A_8 = tpu.memref_slice %arg4[%mul3A_2, %dma_wait3A] : memref<1024x1024xf32, #tpu.memory_space<hbm>> -> memref<32x1024xf32, #tpu.memory_space<hbm>>
      %dma_wait3A_9 = arith.constant 0 : i32
      %dma_wait3A_10 = tpu.memref_slice %arg4[%mul3A_2, %dma_wait3A_9] : memref<1024x1024xf32, #tpu.memory_space<hbm>> -> memref<32x1024xf32, #tpu.memory_space<hbm>>
      tpu.wait_dma2 semaphore(%run_scoped3A : memref<!tpu.dma_semaphore, #tpu.memory_space<semaphore_mem>>) src(%arg7 : memref<32x1024xf32, #tpu.memory_space<vmem>>) dst(%dma_wait3A_10 : memref<32x1024xf32, #tpu.memory_space<hbm>>)
      tpu.yield
    }) : () -> ()
    return
  }
}

module attributes {stable_mosaic.version = 14 : i64} {
  func.func @_tc_add_body(%arg0: i32, %arg1: memref<2x1024x1024xf32, #tpu.memory_space<vmem>>, %arg2: memref<1024x1024xf32, #tpu.memory_space<vmem>>, %arg3: memref<2x1024x1024xf32, #tpu.memory_space<vmem>>) attributes {dimension_semantics = [#tpu.dimension_semantics<arbitrary>], iteration_bounds = array<i64: 8>, scalar_prefetch = 0 : i64, scratch_operands = 0 : i64, tpu.core_type = #tpu.core_type<tc>, window_params = [{transform_indices = @transform_0, window_bounds = array<i64: 2, 1024, 1024>}, {pipeline_mode = #tpu.pipeline_mode<synchronous>, transform_indices = @transform_1, window_bounds = array<i64: 1024, 1024>}, {transform_indices = @transform_2, window_bounds = array<i64: 2, 1024, 1024>}]} {
    %get3A = arith.constant 0 : index
    %get3A_0 = arith.constant 0 : index
    %get3A_1 = arith.constant 0 : index
    %get3A_2 = vector.load %arg1[%get3A, %get3A_0, %get3A_1] : memref<2x1024x1024xf32, #tpu.memory_space<vmem>>, vector<2x1024x1024xf32>
    %get3A_3 = arith.constant 0 : index
    %get3A_4 = arith.constant 0 : index
    %get3A_5 = vector.load %arg2[%get3A_3, %get3A_4] : memref<1024x1024xf32, #tpu.memory_space<vmem>>, vector<1024x1024xf32>
    %broadcast_in_dim3A = vector.shape_cast %get3A_5 : vector<1024x1024xf32> to vector<1x1024x1024xf32>
    %add3A = vector.broadcast %broadcast_in_dim3A : vector<1x1024x1024xf32> to vector<2x1024x1024xf32>
    %add3A_6 = arith.addf %get3A_2, %add3A : vector<2x1024x1024xf32>
    %swap3A = arith.constant 0 : index
    %swap3A_7 = arith.constant 0 : index
    %swap3A_8 = arith.constant 0 : index
    %swap3A_9 = vector.load %arg3[%swap3A, %swap3A_7, %swap3A_8] : memref<2x1024x1024xf32, #tpu.memory_space<vmem>>, vector<2x1024x1024xf32>
    tpu.vector_store %arg3[%swap3A, %swap3A_7, %swap3A_8], %add3A_6 {strides = array<i32>} : memref<2x1024x1024xf32, #tpu.memory_space<vmem>>, vector<2x1024x1024xf32>,
    return
  }
  func.func @transform_0(%arg0: i32) -> (i32, i32, i32) {
    %c0_i32 = arith.constant 0 : i32
    %c0_i32_0 = arith.constant 0 : i32
    %c0_i32_1 = arith.constant 0 : i32
    return %arg0, %c0_i32, %c0_i32_0 : i32, i32, i32
  }
  func.func @transform_1(%arg0: i32) -> (i32, i32) {
    %c0_i32 = arith.constant 0 : i32
    %c0_i32_0 = arith.constant 0 : i32
    %c0_i32_1 = arith.constant 0 : i32
    return %c0_i32, %c0_i32_0 : i32, i32
  }
  func.func @transform_2(%arg0: i32) -> (i32, i32, i32) {
    %c0_i32 = arith.constant 0 : i32
    %c0_i32_0 = arith.constant 0 : i32
    %c0_i32_1 = arith.constant 0 : i32
    return %arg0, %c0_i32, %c0_i32_0 : i32, i32, i32
  }
}

</mosaic_0001>

<sc_bundles>
// kernel: kernel.4.cloned.1.call-start
scs
__scs_entry_jumppad:
0x0: {  	(pc) =	sbr.rel $0x88, $3  }
0x1: {  	(tag) =	ssettag $0x0;
	lr =	simm.s32 $0x1  }
0x2: {  	[smem:$0x3F9E] =	sst lr;
	_ =	strace $0xD0000000  }
0x3: {  	_ = 	snop  }
0x4: {  	_ = 	snop  }
0x5: {  	_ = 	snop  }
0x6: {  	_ = 	snop  }
0x7: {  	_ = 	snop  }
__scs_overlays_trampoline_lowered:
0x8: {  	[smem:$0x3FAD] =	sst s0  }
0x9: {  	[smem:$0x3FAE] =	sst s1  }
0xa: {  	[smem:$0x3FAF] =	sst s2  }
0xb: {  	[smem:$0x3FB0] =	sst s3  }
0xc: {  	[smem:$0x3FB1] =	sst s4  }
0xd: {  	[smem:$0x3FB2] =	sst s5  }
0xe: {  	[smem:$0x3FB3] =	sst s6  }
0xf: {  	[smem:$0x3FB4] =	sst s7  }
0x10: {  	[smem:$0x3FB5] =	sst s8  }
0x11: {  	[smem:$0x3FB6] =	sst s9;
	s0 =	simm.s32 @!p0 $0x0  }
0x12: {  	s1 =	sld [smem:$0x3F9C];
	s0 =	simm.s32 @p0 $0x1  }
0x13: {  	[smem:$0x3FB7] =	sst s0;
	s0 =	simm.s32 @!p1 $0x0  }
0x14: {  	s2 =	sld [smem:$0x3F9B];
	s0 =	simm.s32 @p1 $0x1  }
0x15: {  	[smem:$0x3FB8] =	sst s0;
	s0 =	simm.s32 @!p2 $0x0  }
0x16: {  	s3 =	sld [smem:$0x3FDB];
	s0 =	simm.s32 @p2 $0x1  }
0x17: {  	s4 =	simm.s32 $0x1BF5;
	[smem:$0x3FBA] =	sst s0  }
0x18: {  	s0 =	sld [smem:$0x3F9D];
	_ =	swait.ge [sflag:s4], $0x0  }
0x19: {  	s7 =	sld [smem:$0x3F9E]  }
0x1a: {  	s8 =	sadd.s32 $0xFFFFE003, lr  }
0x1b: {  	s9 =	sadd.s32 $0xFFFFFEF7, lr;
	s5 =	simm.s32 $0xFFFFFFFF;
	p2 =	slt.u32 s8, $0xFFFFF086  }
0x1c: {  	p1 =	slt.u32 s9, $0xF7A;
	s5 =	simm.s32 @!p2 $0x0  }
0x1d: {  	s5 =	simm.s32 @p1 $0x1;
	p0 =	seq.s32 s7, s2  }
0x1e: {  	s7 =	smul.u32 @!p0 $0xF7A, s2;
	p2 =	seq.s32 @!p0 s5, $0x0  }
0x1f: {  	s9 =	smul.u32 $0xF7A, s1;
	s8 =	simm.s32 @!p0 $0x1BF5;
	p2 =	por !p2, p0  }
0x20: {  	[sflag:s8] =	ssyncset.s32 @!p0 $0xFFFFF086;
	s6 =	sadd.s32 @!p0 s3, s7;
	s7 =	simm.s32 @!p0 $0x108  }
0x21: {  	s3 =	sadd.s32 s3, s9;
	s6 =	sadd.s32 @!p0 $0x88, s6;
	s7 =	simm.s32 @p2 $0x1082  }
0x22: {  	[simem:s7], [sflag:s8] =	dma.local @!p0 [hbm:s6], $0xF7A  }
0x23: {  	s9 =	sor.u32 $0xD0000000, s2;
	s6 =	simm.s32 $0x108;
	_ =	swait.ge @!p0 [sflag:s8], $0x0  }
0x24: {  	s3 =	sadd.s32 $0x88, s3;
	s6 =	simm.s32 @!p1 $0x1082;
	[sflag:s4] =	ssyncset.s32 $0xFFFFF086  }
0x25: {  	[simem:s6], [sflag:s4] =	dma.local [hbm:s3], $0xF7A  }
0x26: {  	[smem:$0x3F9E] =	sst s1;
	(tag) =	ssettag s2;
	_ =	strace s9  }
0x27: {  	s1 =	sld [smem:$0x3FAE]  }
0x28: {  	s2 =	sld [smem:$0x3FAF]  }
0x29: {  	s4 =	sld [smem:$0x3FB1]  }
0x2a: {  	p0 =	seq.s32 s5, $0x0;
	s5 =	sld [smem:$0x3FB2]  }
0x2b: {  	s6 =	sld [smem:$0x3FB3]  }
0x2c: {  	s7 =	sld [smem:$0x3FB4]  }
0x2d: {  	s3 =	simm.s32 $0x108;
	s8 =	sld [smem:$0x3FB5]  }
0x2e: {  	s3 =	simm.s32 @!p0 $0x1082;
	s9 =	sld [smem:$0x3FB6]  }
0x2f: {  	lr =	sadd.s32 s0, s3;
	s0 =	sld [smem:$0x3FAD]  }
0x30: {  	s3 =	sld [smem:$0x3FB0]  }
0x31: {  	[smem:$0x3FB9] =	sst s10  }
0x32: {  	s10 =	sld [smem:$0x3FB7];
	_ =	sdelay $0x3  }
0x33: {  	p0 =	seq.s32 s10, $0x1;
	s10 =	sld [smem:$0x3FB9];
	_ =	sdelay $0x3  }
0x34: {  	[smem:$0x3FB9] =	sst s10  }
0x35: {  	s10 =	sld [smem:$0x3FB8];
	_ =	sdelay $0x3  }
0x36: {  	p1 =	seq.s32 s10, $0x1;
	s10 =	sld [smem:$0x3FB9];
	_ =	sdelay $0x3  }
0x37: {  	[smem:$0x3FB9] =	sst s10  }
0x38: {  	s10 =	sld [smem:$0x3FBA]  }
0x39: {  	_ = 	snop;
	(pc) =	sbr.ind lr, $3  }
0x3a: {  	_ = 	snop  }
0x3b: {  	_ = 	snop  }
0x3c: {  	p2 =	seq.s32 s10, $0x1;
	s10 =	sld [smem:$0x3FB9]  }
0x3d: {  	_ =	shalt  }
0x3e: {  	_ =	shalt  }
0x3f: {  	_ =	shalt  }
0x40: {  	_ =	shalt  }
0x41: {  	_ =	shalt  }
0x42: {  	_ =	shalt  }
0x43: {  	_ =	shalt  }
0x44: {  	_ =	shalt  }
0x45: {  	_ =	shalt  }
0x46: {  	_ =	shalt  }
0x47: {  	_ =	shalt  }
0x48: {  	_ =	shalt  }
0x49: {  	_ =	shalt  }
0x4a: {  	_ =	shalt  }
0x4b: {  	_ =	shalt  }
0x4c: {  	_ =	shalt  }
0x4d: {  	_ =	shalt  }
0x4e: {  	_ =	shalt  }
0x4f: {  	_ =	shalt  }
0x50: {  	_ =	shalt  }
0x51: {  	_ =	shalt  }
0x52: {  	_ =	shalt  }
0x53: {  	_ =	shalt  }
0x54: {  	_ =	shalt  }
0x55: {  	_ =	shalt  }
0x56: {  	_ =	shalt  }
0x57: {  	_ =	shalt  }
0x58: {  	_ =	shalt  }
0x59: {  	_ =	shalt  }
0x5a: {  	_ =	shalt  }
0x5b: {  	_ =	shalt  }
0x5c: {  	_ =	shalt  }
0x5d: {  	_ =	shalt  }
0x5e: {  	_ =	shalt  }
0x5f: {  	_ =	shalt  }
0x60: {  	_ =	shalt  }
0x61: {  	_ =	shalt  }
0x62: {  	_ =	shalt  }
0x63: {  	_ =	shalt  }
0x64: {  	_ =	shalt  }
0x65: {  	_ =	shalt  }
0x66: {  	_ =	shalt  }
0x67: {  	_ =	shalt  }
0x68: {  	_ =	shalt  }
0x69: {  	_ =	shalt  }
0x6a: {  	_ =	shalt  }
0x6b: {  	_ =	shalt  }
0x6c: {  	_ =	shalt  }
0x6d: {  	_ =	shalt  }
0x6e: {  	_ =	shalt  }
0x6f: {  	_ =	shalt  }
0x70: {  	_ =	shalt  }
0x71: {  	_ =	shalt  }
0x72: {  	_ =	shalt  }
0x73: {  	_ =	shalt  }
0x74: {  	_ =	shalt  }
0x75: {  	_ =	shalt  }
0x76: {  	_ =	shalt  }
0x77: {  	_ =	shalt  }
0x78: {  	_ =	shalt  }
0x79: {  	_ =	shalt  }
0x7a: {  	_ =	shalt  }
0x7b: {  	_ =	shalt  }
0x7c: {  	_ =	shalt  }
0x7d: {  	_ =	shalt  }
0x7e: {  	_ =	shalt  }
0x7f: {  	_ =	shalt  }
0x80: {  	_ =	shalt  }
0x81: {  	_ =	shalt  }
0x82: {  	_ =	shalt  }
0x83: {  	_ =	shalt  }
0x84: {  	_ =	shalt  }
0x85: {  	_ =	shalt  }
0x86: {  	_ =	shalt  }
0x87: {  	_ =	shalt  }
.Lfunc_end0:
.L_simem_size_0:
called_computation_lowered:
.L_overlay_start_0:
0x88: {  	s2 =	sld [smem:$0x3FD9]  }
0x89: {  	s3 =	sld [smem:$0x3FFE];
	_ =	sdelay $0x1  }
0x8a: {  	s1 =	srdreg.scid  }
0x8b: {  	s0 =	sand.u32 $0x1, s1  }
0x8c: {  	s18 =	sshll.u32 s0, $0xA;
	s2 =	sadd.s32 s3, s2  }
0x8d: {  	s2 =	sadd.s32 s2, s18  }
0x8e: {  	[smem:$0x3FC5] =	sst s2  }
0x8f: {  	_ = 	snop  }
0x90: {  	s2 =	sld [smem:$0x3FC8]  }
0x91: {  	s19 =	sld [smem:$0x3FC7]  }
0x92: {  	s4 =	sld [smem:$0x3FD0];
	(tm) =	ssettm $0x1  }
0x93: {  	s5 =	sld [smem:$0x3FFB];
	_ =	sdelay $0x3  }
0x94: {  	_ =	strace s5  }
0x95: {  	s5 =	sld [smem:$0x3FFC];
	_ =	sdelay $0x3  }
0x96: {  	_ =	strace s5  }
0x97: {  	s5 =	sld [smem:$0x3FFD];
	_ =	sdelay $0x3  }
0x98: {  	_ =	strace s5  }
0x99: {  	_ =	strace $0x8FFFFFFF  }
0x9a: {  	s20 =	sld [smem:$0x3FDB];
	_ =	sdelay $0x1  }
0x9b: {  	s6 =	simm.s32 $_scs_section_size  }
0x9c: {  	s7 =	simm.s32 $_size__tile_overlayer_lowered;
	s8 =	simm.s32 $_tile_overlayer_lowered  }
0x9d: {  	s23 =	simm.s32 $0x1BFF;
	s22 =	sshll.u32 s8, $0x1;
	s5 =	sadd.s32 s6, s20  }
0x9e: {  	s9 =	simm.s32 $0x0;
	s21 =	sshll.u32 s7, $0x1;
	s7 =	sadd.s32 s22, s5  }
0x9f: {  	[timem:s9], [sflag:s23] =	dma.local [hbm:s7], s21  }
0xa0: {  	_ =	swait.ge [sflag:s23], s21  }
0xa1: {  	s6 =	ssub.s32 $0x0, s21;
	[sflag:s23] =	ssyncset.done $0x0  }
0xa2: {  	[sflag:s23] =	ssyncadd.s32 s6;
	_ =	sdelay $0x1  }
0xa3: {  	s24 =	simm.s32 $0x1B8B  }
0xa4: {  	_ =	swait.ge [sflag:s24], $0x1  }
0xa5: {  	[sflag:s24] =	ssyncset.done $0x0  }
0xa6: {  	s25 =	simm.s32 $0x1B8E;
	[sflag:s24] =	ssyncadd.s32 $0xFFFFFFFF  }
0xa7: {  	s26 =	simm.s32 $execute0_lowered;
	[smem:$0x3FD2] =	sst s25  }
0xa8: {  	s6 =	sshll.u32 s26, $0x1;
	_ =	strace $0x80000046;
	[dreg:$0x1] =	wrdreg $0xFFFFFFFF  }
0xa9: {  	s28 =	simm.s32 $_size_execute0_lowered;
	s5 =	sadd.s32 s5, s6;
	[dreg:$0x0] =	wrdreg $0x0  }
0xaa: {  	s6 =	sshll.u32 s28, $0x1;
	[dreg:$0x2] =	wrdreg s5  }
0xab: {  	[dreg:$0x3] =	wrdreg s6  }
0xac: {  	[dreg:$0x4] =	wrdreg $0xC0  }
0xad: {  	_ =	task [dreg:s9], $0x5FFFF  }
0xae: {  	[dreg:$0x1] =	wrdreg $0xFFFFFFFF  }
0xaf: {  	[dreg:$0x0] =	wrdreg $0x60  }
0xb0: {  	[dreg:$0x2] =	wrdreg s19  }
0xb1: {  	[dreg:$0x3] =	wrdreg s2  }
0xb2: {  	[dreg:$0x4] =	wrdreg s4  }
0xb3: {  	[dreg:$0x5] =	wrdreg $0x9  }
0xb4: {  	_ =	task.clear_ibuf [dreg:s9], $0x6FFFF;
	_ =	strace $0x90000046  }
0xb5: {  	s29 =	simm.s32 $0x9;
	_ =	strace $0x80000048  }
0xb6: {  	_ =	swait.ge [sflag:s29], $0x1  }
0xb7: {  	[sflag:s29] =	ssyncadd.s32 $0xFFFFFFFF  }
0xb8: {  	_ =	strace $0x90000048  }
0xb9: {  	_ =	sfence  }
0xba: {  	s30 =	sld [smem:$0x0];
	_ =	sdelay $0x2  }
0xbb: {  	s31 =	sshll.u32 s1, $0xD;
	s1 =	sshrl.u32 s1, $0x2  }
0xbc: {  	s3 =	sand.u32 $0x4000, s31;
	s1 =	sadd.s32 s1, s30  }
0xbd: {  	s0 =	sor.u32 s3, s0;
	s1 =	sshll.u32 s1, $0x11  }
0xbe: {  	s0 =	sor.u32 s1, s0  }
0xbf: {  	s0 =	sadd.s32 $0x8F2B, s0  }
0xc0: {  	[sflag:s0] =	ssyncadd.remote.s32 $0x1  }
0xc1: {  	_ =	sfence.sel $0xFFFF  }
0xc2: {  	[dreg:$0x0] =	wrdreg $0xFFFFFFFF;
	(pc) =	sbr.abs _section_cstart, $3  }
0xc3: {  	[dreg:$0x1] =	wrdreg $0xFFFFFFFF  }
0xc4: {  	_ =	task.clear_ibuf [dreg:s9], $0x2FFFF;
	_ =	strace $0x9FFFFFFF  }
0xc5: {  	(tm) =	ssettm $0x7FFFFFFF  }
tec
execute0_lowered:
.L_overlay_start_1:
0x0: {  	(tag) =	ssettag $0x1  }
0x1: {  	s1 =	rddreg [dreg:$0x0]  }
0x2: {  	s4 =	rddreg [dreg:$0x1]  }
0x3: {  	s5 =	rddreg [dreg:$0x2]  }
0x4: {  	s0 =	rddreg [dreg:$0x3];
	s6 =	srdreg.scid  }
0x5: {  	s3 =	simm.s32 $0x0;
	s2 =	stileid.u32;
	s10 =	simm.s32 $0x0  }
0x6: {  	s6 =	sand.u32 $0x1, s6;
	s8 =	sshll.u32 s2, $0xD;
	[smem:$0x7FF] =	sst s3  }
0x7: {  	s7 =	ssub.s32 $0x2, s6;
	s6 =	sshll.u32 s6, $0xC;
	_ =	strace $0x80000047  }
0x8: {  	s9 =	sshrl.u32 s7, $0x1;
	s6 =	sor.u32 s6, s8;
	s8 =	simm.s32 $0x1000  }
0x9: {  	s7 =	ssub.s32 s7, s9;
	s4 =	sadd.s32 s4, s6;
	s5 =	sadd.s32 s5, s6  }
0xa: {  	s9 =	simm.s32 $0x9000;
	s6 =	smax.u32 s7, $0x1;
	s7 =	simm.s32 $0x1  }
.LBB2_1:
0xb: {  	[tilespmem:s3], [sflag:$0x1] =	stream.linear.gather [hbm4b:s1+s3], $0xF81, $0x38;
	[tilespmem:$0x11000] =	vst v63  }
0xc: {  	_ =	swait.ge [sflag:s7], $0xF81  }
0xd: {  	[sflag:s7] =	ssyncset.done $0x0  }
0xe: {  	[sflag:s7] =	ssyncadd.s32 $0xFFFFF07F  }
0xf: {  	[tilespmem:s8], [sflag:$0x1] =	stream.linear.gather [hbm4b:s4+s3], $0x8000, $0x38;
	[tilespmem:$0x11000] =	vst v63  }
0x10: {  	s11 =	simm.s32 $0x0;
	_ =	swait.ge [sflag:s7], $0x8000  }
0x11: {  	s12 =	sand.u32 $0x380, s3;
	s11 =	sand.u32 $0x6000, s11;
	[sflag:s7] =	ssyncset.done $0x0  }
0x12: {  	s14 =	sor.u32 s12, s11;
	[sflag:s7] =	ssyncadd.s32 $0xFFFF8000  }
0x13: {  	v0 =	vld [tilespmem:s14+$0x1000];
	_ =	sdelay $0x5  }
0x14: {  	v1 =	vld [tilespmem:s14+$0x1010];
	_ =	sdelay $0x1  }
0x15: {  	v0 =	vld.idx.msk [tilespmem:v0+s3+$0x0], $0xffff;
	_ =	sdelay $0x3  }
0x16: {  	v2 =	vld [tilespmem:s14+$0x1020]  }
0x17: {  	[tilespmem:s14+$0x9000] =	vst v0  }
0x18: {  	v0 =	vld.idx.msk [tilespmem:v1+s3+$0x0], $0xffff;
	_ =	sdelay $0x3  }
0x19: {  	v1 =	vld [tilespmem:s14+$0x1030]  }
0x1a: {  	[tilespmem:s14+$0x9010] =	vst v0  }
0x1b: {  	v0 =	vld.idx.msk [tilespmem:v2+s3+$0x0], $0xffff;
	_ =	sdelay $0x3  }
0x1c: {  	v2 =	vld [tilespmem:s14+$0x1040]  }
0x1d: {  	[tilespmem:s14+$0x9020] =	vst v0  }
0x1e: {  	v0 =	vld.idx.msk [tilespmem:v1+s3+$0x0], $0xffff;
	_ =	sdelay $0x3  }
0x1f: {  	v1 =	vld [tilespmem:s14+$0x1050]  }
0x20: {  	[tilespmem:s14+$0x9030] =	vst v0  }
0x21: {  	v0 =	vld.idx.msk [tilespmem:v2+s3+$0x0], $0xffff;
	_ =	sdelay $0x3  }
0x22: {  	v2 =	vld [tilespmem:s14+$0x1060]  }
0x23: {  	[tilespmem:s14+$0x9040] =	vst v0  }
0x24: {  	v0 =	vld.idx.msk [tilespmem:v1+s3+$0x0], $0xffff;
	_ =	sdelay $0x3  }
0x25: {  	v1 =	vld [tilespmem:s14+$0x1070]  }
0x26: {  	[tilespmem:s14+$0x9050] =	vst v0  }
0x27: {  	v0 =	vld.idx.msk [tilespmem:v2+s3+$0x0], $0xffff;
	_ =	sdelay $0x3  }
0x28: {  	v2 =	vld [tilespmem:s14+$0x1400]  }
0x29: {  	[tilespmem:s14+$0x9060] =	vst v0  }
0x2a: {  	v0 =	vld.idx.msk [tilespmem:v1+s3+$0x0], $0xffff;
	_ =	sdelay $0x4  }
0x2b: {  	[tilespmem:s14+$0x9070] =	vst v0;
	v0 =	vld [tilespmem:s14+$0x1410]  }
0x2c: {  	v1 =	vld.idx.msk [tilespmem:v2+s3+$0x0], $0xffff;
	_ =	sdelay $0x4  }
0x2d: {  	[tilespmem:s14+$0x9400] =	vst v1  }
0x2e: {  	v1 =	vld [tilespmem:s14+$0x1420];
	_ =	sdelay $0x1  }
0x2f: {  	v0 =	vld.idx.msk [tilespmem:v0+s3+$0x0], $0xffff;
	_ =	sdelay $0x3  }
0x30: {  	v2 =	vld [tilespmem:s14+$0x1430]  }
0x31: {  	[tilespmem:s14+$0x9410] =	vst v0  }
0x32: {  	v0 =	vld.idx.msk [tilespmem:v1+s3+$0x0], $0xffff;
	_ =	sdelay $0x3  }
0x33: {  	v1 =	vld [tilespmem:s14+$0x1440]  }
0x34: {  	[tilespmem:s14+$0x9420] =	vst v0  }
0x35: {  	v0 =	vld.idx.msk [tilespmem:v2+s3+$0x0], $0xffff;
	_ =	sdelay $0x3  }
0x36: {  	v2 =	vld [tilespmem:s14+$0x1450]  }
0x37: {  	[tilespmem:s14+$0x9430] =	vst v0  }
0x38: {  	v0 =	vld.idx.msk [tilespmem:v1+s3+$0x0], $0xffff;
	_ =	sdelay $0x3  }
0x39: {  	v1 =	vld [tilespmem:s14+$0x1460]  }
0x3a: {  	[tilespmem:s14+$0x9440] =	vst v0  }
0x3b: {  	v0 =	vld.idx.msk [tilespmem:v2+s3+$0x0], $0xffff;
	_ =	sdelay $0x3  }
0x3c: {  	v2 =	vld [tilespmem:s14+$0x1470]  }
0x3d: {  	[tilespmem:s14+$0x9450] =	vst v0  }
0x3e: {  	v0 =	vld.idx.msk [tilespmem:v1+s3+$0x0], $0xffff;
	_ =	sdelay $0x3  }
0x3f: {  	s19 =	simm.s32 $0x80;
	s20 =	simm.s32 $0x400  }
0x40: {  	s12 =	sand.u32 $0x6000, s20;
	s11 =	sand.u32 $0x380, s19;
	[tilespmem:s14+$0x9460] =	vst v0;
	v0 =	vld [tilespmem:s14+$0x1800]  }
0x41: {  	s11 =	sor.u32 s11, s12;
	v1 =	vld.idx.msk [tilespmem:v2+s3+$0x0], $0xffff  }
0x42: {  	v2 =	vld [tilespmem:s11+$0x1000];
	_ =	sdelay $0x3  }
0x43: {  	v3 =	vld [tilespmem:s14+$0x1810]  }
0x44: {  	[tilespmem:s14+$0x9470] =	vst v1;
	v1 =	vld [tilespmem:s11+$0x1010]  }
0x45: {  	v0 =	vld.idx.msk [tilespmem:v0+s3+$0x0], $0xffff;
	_ =	sdelay $0x1  }
0x46: {  	v2 =	vld.idx.msk [tilespmem:v2+s3+$0x0], $0xffff;
	_ =	sdelay $0x1  }
0x47: {  	v4 =	vld [tilespmem:s14+$0x1820]  }
0x48: {  	[tilespmem:s14+$0x9800] =	vst v0  }
0x49: {  	v0 =	vld.idx.msk [tilespmem:v3+s3+$0x0], $0xffff  }
0x4a: {  	[tilespmem:s11+$0x9000] =	vst v2;
	v2 =	vld [tilespmem:s11+$0x1020]  }
0x4b: {  	v1 =	vld.idx.msk [tilespmem:v1+s3+$0x0], $0xffff;
	_ =	sdelay $0x2  }
0x4c: {  	v3 =	vld [tilespmem:s14+$0x1830];
	[tilespmem:s14+$0x9810] =	vst v0  }
0x4d: {  	v0 =	vld.idx.msk [tilespmem:v4+s3+$0x0], $0xffff  }
0x4e: {  	[tilespmem:s11+$0x9010] =	vst v1;
	v1 =	vld [tilespmem:s11+$0x1030];
	_ =	sdelay $0x1  }
0x4f: {  	v2 =	vld.idx.msk [tilespmem:v2+s3+$0x0], $0xffff;
	_ =	sdelay $0x1  }
0x50: {  	v4 =	vld [tilespmem:s14+$0x1840]  }
0x51: {  	[tilespmem:s14+$0x9820] =	vst v0  }
0x52: {  	v0 =	vld.idx.msk [tilespmem:v3+s3+$0x0], $0xffff  }
0x53: {  	[tilespmem:s11+$0x9020] =	vst v2;
	v2 =	vld [tilespmem:s11+$0x1040]  }
0x54: {  	v1 =	vld.idx.msk [tilespmem:v1+s3+$0x0], $0xffff;
	_ =	sdelay $0x2  }
0x55: {  	v3 =	vld [tilespmem:s14+$0x1850];
	[tilespmem:s14+$0x9830] =	vst v0  }
0x56: {  	v0 =	vld.idx.msk [tilespmem:v4+s3+$0x0], $0xffff  }
0x57: {  	[tilespmem:s11+$0x9030] =	vst v1;
	v1 =	vld [tilespmem:s11+$0x1050];
	_ =	sdelay $0x1  }
0x58: {  	v2 =	vld.idx.msk [tilespmem:v2+s3+$0x0], $0xffff;
	_ =	sdelay $0x1  }
0x59: {  	v4 =	vld [tilespmem:s14+$0x1860]  }
0x5a: {  	[tilespmem:s14+$0x9840] =	vst v0  }
0x5b: {  	v0 =	vld.idx.msk [tilespmem:v3+s3+$0x0], $0xffff  }
0x5c: {  	[tilespmem:s11+$0x9040] =	vst v2;
	v2 =	vld [tilespmem:s11+$0x1060]  }
0x5d: {  	v1 =	vld.idx.msk [tilespmem:v1+s3+$0x0], $0xffff;
	_ =	sdelay $0x1  }
0x5e: {  	v3 =	vld [tilespmem:s14+$0x1870]  }
0x5f: {  	[tilespmem:s14+$0x9850] =	vst v0  }
0x60: {  	v0 =	vld.idx.msk [tilespmem:v4+s3+$0x0], $0xffff  }
0x61: {  	[tilespmem:s11+$0x9050] =	vst v1;
	v1 =	vld [tilespmem:s11+$0x1070];
	_ =	sdelay $0x1  }
0x62: {  	v2 =	vld.idx.msk [tilespmem:v2+s3+$0x0], $0xffff  }
0x63: {  	v4 =	vld [tilespmem:s14+$0x1C00]  }
0x64: {  	[tilespmem:s14+$0x9860] =	vst v0  }
0x65: {  	v0 =	vld.idx.msk [tilespmem:v3+s3+$0x0], $0xffff;
	_ =	sdelay $0x1  }
0x66: {  	[tilespmem:s11+$0x9060] =	vst v2;
	v2 =	vld [tilespmem:s11+$0x1400]  }
0x67: {  	v1 =	vld.idx.msk [tilespmem:v1+s3+$0x0], $0xffff  }
0x68: {  	v3 =	vld [tilespmem:s14+$0x1C10]  }
0x69: {  	[tilespmem:s14+$0x9870] =	vst v0  }
0x6a: {  	v0 =	vld.idx.msk [tilespmem:v4+s3+$0x0], $0xffff;
	_ =	sdelay $0x1  }
0x6b: {  	[tilespmem:s11+$0x9070] =	vst v1;
	v1 =	vld [tilespmem:s11+$0x1410]  }
0x6c: {  	v4 =	vld [tilespmem:s14+$0x1C20]  }
0x6d: {  	v2 =	vld.idx.msk [tilespmem:v2+s3+$0x0], $0xffff  }
0x6e: {  	[tilespmem:s14+$0x9C00] =	vst v0  }
0x6f: {  	v0 =	vld.idx.msk [tilespmem:v3+s3+$0x0], $0xffff;
	_ =	sdelay $0x1  }
0x70: {  	v3 =	vld [tilespmem:s14+$0x1C30]  }
0x71: {  	[tilespmem:s11+$0x9400] =	vst v2;
	v2 =	vld [tilespmem:s11+$0x1420]  }
0x72: {  	v1 =	vld.idx.msk [tilespmem:v1+s3+$0x0], $0xffff  }
0x73: {  	[tilespmem:s14+$0x9C10] =	vst v0  }
0x74: {  	v0 =	vld.idx.msk [tilespmem:v4+s3+$0x0], $0xffff;
	_ =	sdelay $0x2  }
0x75: {  	[tilespmem:s11+$0x9410] =	vst v1;
	v1 =	vld [tilespmem:s11+$0x1430]  }
0x76: {  	v4 =	vld [tilespmem:s14+$0x1C40]  }
0x77: {  	[tilespmem:s14+$0x9C20] =	vst v0;
	v2 =	vld.idx.msk [tilespmem:v2+s3+$0x0], $0xffff  }
0x78: {  	v0 =	vld.idx.msk [tilespmem:v3+s3+$0x0], $0xffff;
	_ =	sdelay $0x2  }
0x79: {  	v3 =	vld [tilespmem:s14+$0x1C50]  }
0x7a: {  	[tilespmem:s11+$0x9420] =	vst v2;
	v2 =	vld [tilespmem:s11+$0x1440]  }
0x7b: {  	[tilespmem:s14+$0x9C30] =	vst v0;
	v1 =	vld.idx.msk [tilespmem:v1+s3+$0x0], $0xffff  }
0x7c: {  	v0 =	vld.idx.msk [tilespmem:v4+s3+$0x0], $0xffff;
	_ =	sdelay $0x3  }
0x7d: {  	v4 =	vld [tilespmem:s14+$0x1C60];
	[tilespmem:s11+$0x9430] =	vst v1  }
0x7e: {  	v1 =	vld [tilespmem:s11+$0x1450];
	[tilespmem:s14+$0x9C40] =	vst v0  }
0x7f: {  	v0 =	vld.idx.msk [tilespmem:v3+s3+$0x0], $0xffff  }
0x80: {  	v2 =	vld.idx.msk [tilespmem:v2+s3+$0x0], $0xffff;
	_ =	sdelay $0x2  }
0x81: {  	v5 =	vld [tilespmem:s14+$0x1C70]  }
0x82: {  	v3 =	vld [tilespmem:s11+$0x1460];
	[tilespmem:s14+$0x9C50] =	vst v0  }
0x83: {  	[tilespmem:s11+$0x9440] =	vst v2;
	v0 =	vld.idx.msk [tilespmem:v4+s3+$0x0], $0xffff  }
0x84: {  	v1 =	vld.idx.msk [tilespmem:v1+s3+$0x0], $0xffff;
	_ =	sdelay $0x1  }
0x85: {  	v6 =	vld [tilespmem:s14+$0x2020]  }
0x86: {  	v2 =	vld [tilespmem:s11+$0x1470]  }
0x87: {  	v4 =	vld [tilespmem:s14+$0x2000];
	[tilespmem:s14+$0x9C60] =	vst v0  }
0x88: {  	[tilespmem:s11+$0x9450] =	vst v1;
	v0 =	vld.idx.msk [tilespmem:v5+s3+$0x0], $0xffff  }
0x89: {  	v1 =	vld.idx.msk [tilespmem:v3+s3+$0x0], $0xffff  }
0x8a: {  	v7 =	vld [tilespmem:s14+$0x2030]  }
0x8b: {  	v8 =	vld [tilespmem:s14+$0x2420]  }
0x8c: {  	v9 =	vld [tilespmem:s11+$0x1C20]  }
0x8d: {  	s21 =	simm.s32 $0x100;
	s13 =	simm.s32 $0x800;
	v3 =	vld [tilespmem:s14+$0x2010];
	[tilespmem:s14+$0x9C70] =	vst v0  }
0x8e: {  	s13 =	sand.u32 $0x6000, s13;
	s12 =	sand.u32 $0x380, s21;
	[tilespmem:s11+$0x9460] =	vst v1;
	v1 =	vld [tilespmem:s11+$0x1800]  }
0x8f: {  	s12 =	sor.u32 s12, s13;
	v0 =	vld.idx.msk [tilespmem:v4+s3+$0x0], $0xffff  }
0x90: {  	v4 =	vld [tilespmem:s12+$0x1000]  }
0x91: {  	v2 =	vld.idx.msk [tilespmem:v2+s3+$0x0], $0xffff  }
0x92: {  	v10 =	vld [tilespmem:s14+$0x2840]  }
0x93: {  	v11 =	vld [tilespmem:s12+$0x1460]  }
0x94: {  	v5 =	vld [tilespmem:s11+$0x1810];
	[tilespmem:s14+$0xA000] =	vst v0  }
0x95: {  	v0 =	vld.idx.msk [tilespmem:v3+s3+$0x0], $0xffff  }
0x96: {  	[tilespmem:s11+$0x9470] =	vst v2;
	v2 =	vld [tilespmem:s12+$0x1010]  }
0x97: {  	s22 =	simm.s32 $0x180;
	s15 =	simm.s32 $0xC00;
	v1 =	vld.idx.msk [tilespmem:v1+s3+$0x0], $0xffff  }
0x98: {  	s15 =	sand.u32 $0x6000, s15;
	s13 =	sand.u32 $0x380, s22;
	v3 =	vld.idx.msk [tilespmem:v4+s3+$0x0], $0xffff  }
0x99: {  	s13 =	sor.u32 s13, s15;
	v12 =	vld [tilespmem:s11+$0x2010]  }
0x9a: {  	v14 =	vld [tilespmem:s13+$0x1460]  }
0x9b: {  	v4 =	vld [tilespmem:s11+$0x1820];
	[tilespmem:s14+$0xA010] =	vst v0  }
0x9c: {  	v0 =	vld.idx.msk [tilespmem:v6+s3+$0x0], $0xffff;
	[tilespmem:s11+$0x9800] =	vst v1  }
0x9d: {  	[tilespmem:s12+$0x9000] =	vst v3;
	v3 =	vld [tilespmem:s12+$0x1020]  }
0x9e: {  	v1 =	vld.idx.msk [tilespmem:v5+s3+$0x0], $0xffff  }
0x9f: {  	v2 =	vld.idx.msk [tilespmem:v2+s3+$0x0], $0xffff  }
0xa0: {  	v59 =	vld [tilespmem:s13+$0x1810]  }
0xa1: {  	v6 =	vld [tilespmem:s14+$0x2040]  }
0xa2: {  	v5 =	vld [tilespmem:s11+$0x1830];
	[tilespmem:s14+$0xA020] =	vst v0  }
0xa3: {  	s16 =	simm.s32 $0x200;
	s17 =	simm.s32 $0x1000;
	v0 =	vld.idx.msk [tilespmem:v7+s3+$0x0], $0xffff;
	[tilespmem:s11+$0x9810] =	vst v1  }
0xa4: {  	s17 =	sand.u32 $0x6000, s17;
	s16 =	sand.u32 $0x380, s16;
	[tilespmem:s12+$0x9010] =	vst v2;
	v2 =	vld [tilespmem:s12+$0x1030]  }
0xa5: {  	s17 =	sor.u32 s16, s17;
	v1 =	vld.idx.msk [tilespmem:v4+s3+$0x0], $0xffff  }
0xa6: {  	v60 =	vld [tilespmem:s17+$0x1000]  }
0xa7: {  	v3 =	vld.idx.msk [tilespmem:v3+s3+$0x0], $0xffff  }
0xa8: {  	v7 =	vld [tilespmem:s14+$0x2050]  }
0xa9: {  	v4 =	vld [tilespmem:s11+$0x1840];
	[tilespmem:s14+$0xA030] =	vst v0  }
0xaa: {  	v0 =	vld.idx.msk [tilespmem:v6+s3+$0x0], $0xffff;
	[tilespmem:s11+$0x9820] =	vst v1  }
0xab: {  	v1 =	vld.idx.msk [tilespmem:v5+s3+$0x0], $0xffff  }
0xac: {  	[tilespmem:s12+$0x9020] =	vst v3;
	v3 =	vld [tilespmem:s12+$0x1040]  }
0xad: {  	v2 =	vld.idx.msk [tilespmem:v2+s3+$0x0], $0xffff  }
0xae: {  	v6 =	vld [tilespmem:s14+$0x2060]  }
0xaf: {  	v5 =	vld [tilespmem:s11+$0x1850];
	[tilespmem:s14+$0xA040] =	vst v0  }
0xb0: {  	[tilespmem:s11+$0x9830] =	vst v1;
	v1 =	vld.idx.msk [tilespmem:v7+s3+$0x0], $0xffff  }
0xb1: {  	v0 =	vld.idx.msk [tilespmem:v4+s3+$0x0], $0xffff  }
0xb2: {  	[tilespmem:s12+$0x9030] =	vst v2;
	v2 =	vld [tilespmem:s12+$0x1050]  }
0xb3: {  	v15 =	vld [tilespmem:s13+$0x1820]  }
0xb4: {  	v3 =	vld.idx.msk [tilespmem:v3+s3+$0x0], $0xffff  }
0xb5: {  	v7 =	vld [tilespmem:s14+$0x2070]  }
0xb6: {  	v4 =	vld [tilespmem:s11+$0x1860];
	[tilespmem:s14+$0xA050] =	vst v1  }
0xb7: {  	[tilespmem:s11+$0x9840] =	vst v0;
	v1 =	vld.idx.msk [tilespmem:v6+s3+$0x0], $0xffff  }
0xb8: {  	v0 =	vld.idx.msk [tilespmem:v5+s3+$0x0], $0xffff  }
0xb9: {  	[tilespmem:s12+$0x9040] =	vst v3;
	v3 =	vld [tilespmem:s12+$0x1060]  }
0xba: {  	v2 =	vld.idx.msk [tilespmem:v2+s3+$0x0], $0xffff  }
0xbb: {  	v6 =	vld [tilespmem:s14+$0x2400]  }
0xbc: {  	v5 =	vld [tilespmem:s11+$0x1870];
	[tilespmem:s14+$0xA060] =	vst v1  }
0xbd: {  	[tilespmem:s11+$0x9850] =	vst v0;
	v1 =	vld.idx.msk [tilespmem:v7+s3+$0x0], $0xffff  }
0xbe: {  	v0 =	vld.idx.msk [tilespmem:v4+s3+$0x0], $0xffff  }
0xbf: {  	[tilespmem:s12+$0x9050] =	vst v2;
	v2 =	vld [tilespmem:s12+$0x1070]  }
0xc0: {  	v16 =	vld [tilespmem:s17+$0x1010]  }
0xc1: {  	v3 =	vld.idx.msk [tilespmem:v3+s3+$0x0], $0xffff  }
0xc2: {  	v7 =	vld [tilespmem:s14+$0x2410]  }
0xc3: {  	v4 =	vld [tilespmem:s11+$0x1C00];
	[tilespmem:s14+$0xA070] =	vst v1  }
0xc4: {  	[tilespmem:s11+$0x9860] =	vst v0;
	v1 =	vld.idx.msk [tilespmem:v6+s3+$0x0], $0xffff  }
0xc5: {  	v5 =	vld.idx.msk [tilespmem:v5+s3+$0x0], $0xffff  }
0xc6: {  	[tilespmem:s12+$0x9060] =	vst v3;
	v3 =	vld [tilespmem:s12+$0x1400]  }
0xc7: {  	v2 =	vld.idx.msk [tilespmem:v2+s3+$0x0], $0xffff  }
0xc8: {  	v13 =	vld [tilespmem:s11+$0x2020]  }
0xc9: {  	v6 =	vld [tilespmem:s11+$0x1C10];
	[tilespmem:s14+$0xA400] =	vst v1  }
0xca: {  	[tilespmem:s11+$0x9870] =	vst v5;
	v1 =	vld.idx.msk [tilespmem:v7+s3+$0x0], $0xffff  }
0xcb: {  	v4 =	vld.idx.msk [tilespmem:v4+s3+$0x0], $0xffff  }
0xcc: {  	[tilespmem:s12+$0x9070] =	vst v2;
	v2 =	vld [tilespmem:s12+$0x1410]  }
0xcd: {  	v7 =	vld [tilespmem:s14+$0x2430]  }
0xce: {  	v3 =	vld.idx.msk [tilespmem:v3+s3+$0x0], $0xffff  }
0xcf: {  	v52 =	vld [tilespmem:s11+$0x2030];
	[tilespmem:s14+$0xA410] =	vst v1  }
0xd0: {  	[tilespmem:s11+$0x9C00] =	vst v4;
	v1 =	vld.idx.msk [tilespmem:v8+s3+$0x0], $0xffff  }
0xd1: {  	v4 =	vld.idx.msk [tilespmem:v6+s3+$0x0], $0xffff  }
0xd2: {  	v6 =	vld [tilespmem:s14+$0x2440]  }
0xd3: {  	[tilespmem:s12+$0x9400] =	vst v3;
	v3 =	vld [tilespmem:s12+$0x1420]  }
0xd4: {  	v2 =	vld.idx.msk [tilespmem:v2+s3+$0x0], $0xffff  }
0xd5: {  	v8 =	vld [tilespmem:s11+$0x1C30];
	[tilespmem:s14+$0xA420] =	vst v1  }
0xd6: {  	v1 =	vld.idx.msk [tilespmem:v7+s3+$0x0], $0xffff  }
0xd7: {  	v53 =	vld [tilespmem:s12+$0x1C50];
	[tilespmem:s11+$0x9C10] =	vst v4  }
0xd8: {  	v4 =	vld.idx.msk [tilespmem:v9+s3+$0x0], $0xffff  }
0xd9: {  	[tilespmem:s12+$0x9410] =	vst v2;
	v2 =	vld [tilespmem:s12+$0x1430]  }
0xda: {  	v7 =	vld [tilespmem:s14+$0x2450]  }
0xdb: {  	[tilespmem:s14+$0xA430] =	vst v1;
	v3 =	vld.idx.msk [tilespmem:v3+s3+$0x0], $0xffff  }
0xdc: {  	v1 =	vld.idx.msk [tilespmem:v6+s3+$0x0], $0xffff  }
0xdd: {  	v9 =	vld [tilespmem:s11+$0x1C40];
	[tilespmem:s11+$0x9C20] =	vst v4  }
0xde: {  	v4 =	vld.idx.msk [tilespmem:v8+s3+$0x0], $0xffff  }
0xdf: {  	v8 =	vld [tilespmem:s14+$0x2460]  }
0xe0: {  	[tilespmem:s12+$0x9420] =	vst v3;
	v3 =	vld [tilespmem:s12+$0x1440]  }
0xe1: {  	[tilespmem:s14+$0xA440] =	vst v1;
	v2 =	vld.idx.msk [tilespmem:v2+s3+$0x0], $0xffff  }
0xe2: {  	v1 =	vld.idx.msk [tilespmem:v7+s3+$0x0], $0xffff  }
0xe3: {  	v7 =	vld [tilespmem:s11+$0x1C50]  }
0xe4: {  	v55 =	vld [tilespmem:s12+$0x1C70];
	[tilespmem:s11+$0x9C30] =	vst v4  }
0xe5: {  	v4 =	vld.idx.msk [tilespmem:v9+s3+$0x0], $0xffff  }
0xe6: {  	v9 =	vld [tilespmem:s14+$0x2470];
	[tilespmem:s12+$0x9430] =	vst v2  }
0xe7: {  	v2 =	vld [tilespmem:s12+$0x1450];
	[tilespmem:s14+$0xA450] =	vst v1  }
0xe8: {  	v1 =	vld.idx.msk [tilespmem:v8+s3+$0x0], $0xffff  }
0xe9: {  	v8 =	vld [tilespmem:s11+$0x1C60]  }
0xea: {  	[tilespmem:s11+$0x9C40] =	vst v4;
	v3 =	vld.idx.msk [tilespmem:v3+s3+$0x0], $0xffff  }
0xeb: {  	v4 =	vld.idx.msk [tilespmem:v7+s3+$0x0], $0xffff  }
0xec: {  	v7 =	vld [tilespmem:s14+$0x2800]  }
0xed: {  	v0 =	vld [tilespmem:s14+$0x2870];
	[tilespmem:s14+$0xA460] =	vst v1  }
0xee: {  	v1 =	vld.idx.msk [tilespmem:v9+s3+$0x0], $0xffff  }
0xef: {  	v5 =	vld [tilespmem:s14+$0x2860];
	[tilespmem:s12+$0x9440] =	vst v3  }
0xf0: {  	v2 =	vld.idx.msk [tilespmem:v2+s3+$0x0], $0xffff  }
0xf1: {  	v9 =	vld [tilespmem:s11+$0x1C70]  }
0xf2: {  	[tilespmem:s11+$0x9C50] =	vst v4;
	v4 =	vld [tilespmem:s14+$0x2810]  }
0xf3: {  	v3 =	vld.idx.msk [tilespmem:v8+s3+$0x0], $0xffff;
	[tilespmem:s14+$0xA470] =	vst v1  }
0xf4: {  	v1 =	vld.idx.msk [tilespmem:v7+s3+$0x0], $0xffff  }
0xf5: {  	v8 =	vld [tilespmem:s12+$0x1470];
	[tilespmem:s12+$0x9450] =	vst v2  }
0xf6: {  	v2 =	vld.idx.msk [tilespmem:v11+s3+$0x0], $0xffff  }
0xf7: {  	v11 =	vld [tilespmem:s11+$0x2000]  }
0xf8: {  	[tilespmem:s11+$0x9C60] =	vst v3;
	v3 =	vld [tilespmem:s14+$0x2820]  }
0xf9: {  	v9 =	vld.idx.msk [tilespmem:v9+s3+$0x0], $0xffff;
	[tilespmem:s14+$0xA800] =	vst v1  }
0xfa: {  	v1 =	vld.idx.msk [tilespmem:v4+s3+$0x0], $0xffff  }
0xfb: {  	v6 =	vld [tilespmem:s14+$0x2850]  }
0xfc: {  	[tilespmem:s12+$0x9460] =	vst v2;
	v2 =	vld [tilespmem:s12+$0x1800]  }
0xfd: {  	v7 =	vld [tilespmem:s14+$0x2830]  }
0xfe: {  	v8 =	vld.idx.msk [tilespmem:v8+s3+$0x0], $0xffff;
	[tilespmem:s11+$0x9C70] =	vst v9  }
0xff: {  	v9 =	vld.idx.msk [tilespmem:v11+s3+$0x0], $0xffff;
	[tilespmem:s14+$0xA810] =	vst v1  }
0x100: {  	v1 =	vld.idx.msk [tilespmem:v3+s3+$0x0], $0xffff  }
0x101: {  	v3 =	vld [tilespmem:s13+$0x1000]  }
0x102: {  	v11 =	vld [tilespmem:s12+$0x1810]  }
0x103: {  	v4 =	vld [tilespmem:s11+$0x2040];
	[tilespmem:s12+$0x9470] =	vst v8  }
0x104: {  	v2 =	vld.idx.msk [tilespmem:v2+s3+$0x0], $0xffff;
	[tilespmem:s11+$0xA000] =	vst v9  }
0x105: {  	v8 =	vld.idx.msk [tilespmem:v12+s3+$0x0], $0xffff;
	[tilespmem:s14+$0xA820] =	vst v1  }
0x106: {  	v1 =	vld.idx.msk [tilespmem:v7+s3+$0x0], $0xffff  }
0x107: {  	v7 =	vld [tilespmem:s13+$0x1010]  }
0x108: {  	v9 =	vld [tilespmem:s12+$0x1820]  }
0x109: {  	[tilespmem:s12+$0x9800] =	vst v2;
	v3 =	vld.idx.msk [tilespmem:v3+s3+$0x0], $0xffff  }
0x10a: {  	v2 =	vld.idx.msk [tilespmem:v11+s3+$0x0], $0xffff  }
0x10b: {  	[tilespmem:s11+$0xA010] =	vst v8;
	v11 =	vld [tilespmem:s12+$0x1830]  }
0x10c: {  	v8 =	vld.idx.msk [tilespmem:v13+s3+$0x0], $0xffff;
	[tilespmem:s14+$0xA830] =	vst v1  }
0x10d: {  	v1 =	vld.idx.msk [tilespmem:v10+s3+$0x0], $0xffff  }
0x10e: {  	[tilespmem:s13+$0x9000] =	vst v3;
	v3 =	vld [tilespmem:s13+$0x1020]  }
0x10f: {  	[tilespmem:s12+$0x9810] =	vst v2;
	v7 =	vld.idx.msk [tilespmem:v7+s3+$0x0], $0xffff  }
0x110: {  	v2 =	vld.idx.msk [tilespmem:v9+s3+$0x0], $0xffff  }
0x111: {  	[tilespmem:s11+$0xA020] =	vst v8;
	v9 =	vld [tilespmem:s11+$0x2050]  }
0x112: {  	v8 =	vld.idx.msk [tilespmem:v52+s3+$0x0], $0xffff;
	[tilespmem:s14+$0xA840] =	vst v1  }
0x113: {  	v1 =	vld.idx.msk [tilespmem:v6+s3+$0x0], $0xffff  }
0x114: {  	v6 =	vld [tilespmem:s12+$0x1840];
	[tilespmem:s13+$0x9010] =	vst v7  }
0x115: {  	v7 =	vld [tilespmem:s13+$0x1030];
	[tilespmem:s12+$0x9820] =	vst v2  }
0x116: {  	v2 =	vld.idx.msk [tilespmem:v11+s3+$0x0], $0xffff  }
0x117: {  	[tilespmem:s11+$0xA030] =	vst v8;
	v3 =	vld.idx.msk [tilespmem:v3+s3+$0x0], $0xffff  }
0x118: {  	v4 =	vld.idx.msk [tilespmem:v4+s3+$0x0], $0xffff  }
0x119: {  	v8 =	vld [tilespmem:s13+$0x1040];
	[tilespmem:s14+$0xA850] =	vst v1  }
0x11a: {  	v1 =	vld.idx.msk [tilespmem:v5+s3+$0x0], $0xffff  }
0x11b: {  	v5 =	vld [tilespmem:s11+$0x2060];
	[tilespmem:s12+$0x9830] =	vst v2  }
0x11c: {  	[tilespmem:s13+$0x9020] =	vst v3;
	v3 =	vld [tilespmem:s12+$0x1850]  }
0x11d: {  	[tilespmem:s11+$0xA040] =	vst v4;
	v4 =	vld.idx.msk [tilespmem:v6+s3+$0x0], $0xffff  }
0x11e: {  	v2 =	vld.idx.msk [tilespmem:v7+s3+$0x0], $0xffff  }
0x11f: {  	v6 =	vld.idx.msk [tilespmem:v9+s3+$0x0], $0xffff  }
0x120: {  	v7 =	vld [tilespmem:s12+$0x1860];
	[tilespmem:s14+$0xA860] =	vst v1  }
0x121: {  	v0 =	vld.idx.msk [tilespmem:v0+s3+$0x0], $0xffff  }
0x122: {  	v1 =	vld [tilespmem:s11+$0x2070]  }
0x123: {  	s23 =	sand.u32 $0x7, s3;
	[tilespmem:s13+$0x9030] =	vst v2;
	v2 =	vld [tilespmem:s13+$0x1050]  }
0x124: {  	s15 =	sshll.u32 s23, $0x7;
	[tilespmem:s11+$0xA050] =	vst v6;
	v8 =	vld.idx.msk [tilespmem:v8+s3+$0x0], $0xffff  }
0x125: {  	s15 =	sadd.s32 $0x0, s15;
	[tilespmem:s12+$0x9840] =	vst v4;
	v4 =	vld.idx.msk [tilespmem:v5+s3+$0x0], $0xffff  }
0x126: {  	s24 =	sor.u32 $0x1C00, s15;
	v3 =	vld.idx.msk [tilespmem:v3+s3+$0x0], $0xffff;
	[tilespmem:s14+$0xA870] =	vst v0  }
0x127: {  	v5 =	vld [tilespmem:s24+$0x1000]  }
0x128: {  	v9 =	vld [tilespmem:s12+$0x1870]  }
0x129: {  	v6 =	vld [tilespmem:s11+$0x2400];
	[tilespmem:s13+$0x9040] =	vst v8  }
0x12a: {  	v8 =	vld [tilespmem:s13+$0x1060];
	[tilespmem:s11+$0xA060] =	vst v4  }
0x12b: {  	v1 =	vld.idx.msk [tilespmem:v1+s3+$0x0], $0xffff  }
0x12c: {  	[tilespmem:s12+$0x9850] =	vst v3;
	v2 =	vld.idx.msk [tilespmem:v2+s3+$0x0], $0xffff  }
0x12d: {  	v3 =	vld.idx.msk [tilespmem:v7+s3+$0x0], $0xffff  }
0x12e: {  	v7 =	vld [tilespmem:s12+$0x1C00]  }
0x12f: {  	v4 =	vld.idx.msk [tilespmem:v5+s3+$0x0], $0xffff  }
0x130: {  	v5 =	vld [tilespmem:s11+$0x2410]  }
0x131: {  	[tilespmem:s13+$0x9050] =	vst v2;
	v2 =	vld [tilespmem:s13+$0x1070]  }
0x132: {  	[tilespmem:s12+$0x9860] =	vst v3;
	v8 =	vld.idx.msk [tilespmem:v8+s3+$0x0], $0xffff  }
0x133: {  	[tilespmem:s11+$0xA070] =	vst v1;
	v3 =	vld.idx.msk [tilespmem:v9+s3+$0x0], $0xffff  }
0x134: {  	s25 =	sor.u32 $0x1C10, s15;
	v6 =	vld.idx.msk [tilespmem:v6+s3+$0x0], $0xffff;
	[tilespmem:s24+$0x9000] =	vst v4  }
0x135: {  	v4 =	vld [tilespmem:s25+$0x1000]  }
0x136: {  	v10 =	vld [tilespmem:s12+$0x1C10]  }
0x137: {  	v9 =	vld [tilespmem:s11+$0x2420];
	[tilespmem:s13+$0x9060] =	vst v8  }
0x138: {  	v8 =	vld [tilespmem:s13+$0x1400];
	[tilespmem:s12+$0x9870] =	vst v3  }
0x139: {  	v3 =	vld.idx.msk [tilespmem:v7+s3+$0x0], $0xffff  }
0x13a: {  	[tilespmem:s11+$0xA400] =	vst v6;
	v2 =	vld.idx.msk [tilespmem:v2+s3+$0x0], $0xffff  }
0x13b: {  	v5 =	vld.idx.msk [tilespmem:v5+s3+$0x0], $0xffff  }
0x13c: {  	v6 =	vld [tilespmem:s11+$0x2430]  }
0x13d: {  	v4 =	vld.idx.msk [tilespmem:v4+s3+$0x0], $0xffff  }
0x13e: {  	v7 =	vld [tilespmem:s12+$0x1C20];
	[tilespmem:s12+$0x9C00] =	vst v3  }
0x13f: {  	[tilespmem:s13+$0x9070] =	vst v2;
	v2 =	vld [tilespmem:s13+$0x1410]  }
0x140: {  	[tilespmem:s11+$0xA410] =	vst v5;
	v3 =	vld.idx.msk [tilespmem:v10+s3+$0x0], $0xffff  }
0x141: {  	v5 =	vld.idx.msk [tilespmem:v9+s3+$0x0], $0xffff  }
0x142: {  	s26 =	sor.u32 $0x1C20, s15;
	v8 =	vld.idx.msk [tilespmem:v8+s3+$0x0], $0xffff;
	[tilespmem:s25+$0x9000] =	vst v4  }
0x143: {  	v4 =	vld [tilespmem:s26+$0x1000]  }
0x144: {  	v54 =	vld [tilespmem:s11+$0x2800]  }
0x145: {  	v9 =	vld [tilespmem:s11+$0x2440]  }
0x146: {  	v10 =	vld [tilespmem:s12+$0x1C30];
	[tilespmem:s12+$0x9C10] =	vst v3  }
0x147: {  	[tilespmem:s13+$0x9400] =	vst v8;
	v8 =	vld [tilespmem:s13+$0x1420]  }
0x148: {  	[tilespmem:s11+$0xA420] =	vst v5;
	v3 =	vld.idx.msk [tilespmem:v7+s3+$0x0], $0xffff  }
0x149: {  	v5 =	vld.idx.msk [tilespmem:v6+s3+$0x0], $0xffff  }
0x14a: {  	v2 =	vld.idx.msk [tilespmem:v2+s3+$0x0], $0xffff  }
0x14b: {  	v4 =	vld.idx.msk [tilespmem:v4+s3+$0x0], $0xffff  }
0x14c: {  	v6 =	vld [tilespmem:s11+$0x2450]  }
0x14d: {  	v7 =	vld [tilespmem:s12+$0x1C40];
	[tilespmem:s12+$0x9C20] =	vst v3  }
0x14e: {  	[tilespmem:s11+$0xA430] =	vst v5;
	v3 =	vld.idx.msk [tilespmem:v10+s3+$0x0], $0xffff  }
0x14f: {  	v5 =	vld.idx.msk [tilespmem:v9+s3+$0x0], $0xffff;
	[tilespmem:s13+$0x9410] =	vst v2  }
0x150: {  	s28 =	sor.u32 $0x1C30, s15;
	v2 =	vld [tilespmem:s13+$0x1430];
	[tilespmem:s26+$0x9000] =	vst v4  }
0x151: {  	v4 =	vld [tilespmem:s28+$0x1000]  }
0x152: {  	v8 =	vld.idx.msk [tilespmem:v8+s3+$0x0], $0xffff  }
0x153: {  	v57 =	vld [tilespmem:s11+$0x2820]  }
0x154: {  	v10 =	vld [tilespmem:s11+$0x2460];
	[tilespmem:s11+$0xA440] =	vst v5  }
0x155: {  	[tilespmem:s12+$0x9C30] =	vst v3;
	v3 =	vld.idx.msk [tilespmem:v6+s3+$0x0], $0xffff  }
0x156: {  	v5 =	vld.idx.msk [tilespmem:v7+s3+$0x0], $0xffff  }
0x157: {  	[tilespmem:s13+$0x9420] =	vst v8;
	v8 =	vld [tilespmem:s13+$0x1440]  }
0x158: {  	v2 =	vld.idx.msk [tilespmem:v2+s3+$0x0], $0xffff  }
0x159: {  	v4 =	vld.idx.msk [tilespmem:v4+s3+$0x0], $0xffff  }
0x15a: {  	v6 =	vld [tilespmem:s11+$0x2470]  }
0x15b: {  	v7 =	vld [tilespmem:s12+$0x1C60];
	[tilespmem:s11+$0xA450] =	vst v3  }
0x15c: {  	[tilespmem:s12+$0x9C40] =	vst v5;
	v3 =	vld.idx.msk [tilespmem:v10+s3+$0x0], $0xffff  }
0x15d: {  	v5 =	vld.idx.msk [tilespmem:v53+s3+$0x0], $0xffff;
	[tilespmem:s13+$0x9430] =	vst v2  }
0x15e: {  	s29 =	sor.u32 $0x1C40, s15;
	v2 =	vld [tilespmem:s13+$0x1450];
	[tilespmem:s28+$0x9000] =	vst v4  }
0x15f: {  	v4 =	vld [tilespmem:s29+$0x1000]  }
0x160: {  	v8 =	vld.idx.msk [tilespmem:v8+s3+$0x0], $0xffff  }
0x161: {  	v58 =	vld [tilespmem:s12+$0x2010]  }
0x162: {  	v61 =	vld [tilespmem:s12+$0x2030];
	[tilespmem:s11+$0xA460] =	vst v3  }
0x163: {  	[tilespmem:s12+$0x9C50] =	vst v5;
	v3 =	vld.idx.msk [tilespmem:v6+s3+$0x0], $0xffff  }
0x164: {  	v5 =	vld.idx.msk [tilespmem:v7+s3+$0x0], $0xffff  }
0x165: {  	v6 =	vld [tilespmem:s11+$0x2810];
	[tilespmem:s13+$0x9440] =	vst v8  }
0x166: {  	v2 =	vld.idx.msk [tilespmem:v2+s3+$0x0], $0xffff  }
0x167: {  	v4 =	vld.idx.msk [tilespmem:v4+s3+$0x0], $0xffff  }
0x168: {  	v7 =	vld [tilespmem:s12+$0x2000]  }
0x169: {  	v8 =	vld [tilespmem:s13+$0x1470];
	[tilespmem:s12+$0x9C60] =	vst v5  }
0x16a: {  	[tilespmem:s11+$0xA470] =	vst v3;
	v5 =	vld.idx.msk [tilespmem:v55+s3+$0x0], $0xffff  }
0x16b: {  	[tilespmem:s13+$0x9450] =	vst v2;
	v2 =	vld.idx.msk [tilespmem:v54+s3+$0x0], $0xffff  }
0x16c: {  	s30 =	sor.u32 $0x1C50, s15;
	v3 =	vld.idx.msk [tilespmem:v14+s3+$0x0], $0xffff;
	[tilespmem:s29+$0x9000] =	vst v4  }
0x16d: {  	v56 =	vld [tilespmem:s30+$0x1000]  }
0x16e: {  	v11 =	vld [tilespmem:s11+$0x2850]  }
0x16f: {  	v0 =	vld [tilespmem:s11+$0x2870];
	[tilespmem:s12+$0x9C70] =	vst v5  }
0x170: {  	v5 =	vld.idx.msk [tilespmem:v7+s3+$0x0], $0xffff;
	[tilespmem:s11+$0xA800] =	vst v2  }
0x171: {  	v2 =	vld.idx.msk [tilespmem:v6+s3+$0x0], $0xffff  }
0x172: {  	[tilespmem:s13+$0x9460] =	vst v3;
	v3 =	vld [tilespmem:s13+$0x1800]  }
0x173: {  	v6 =	vld.idx.msk [tilespmem:v8+s3+$0x0], $0xffff  }
0x174: {  	v8 =	vld [tilespmem:s12+$0x2020]  }
0x175: {  	v7 =	vld.idx.msk [tilespmem:v56+s3+$0x0], $0xffff  }
0x176: {  	v10 =	vld [tilespmem:s11+$0x2830];
	[tilespmem:s12+$0xA000] =	vst v5  }
0x177: {  	v5 =	vld.idx.msk [tilespmem:v58+s3+$0x0], $0xffff  }
0x178: {  	v1 =	vld [tilespmem:s11+$0x2860];
	[tilespmem:s11+$0xA810] =	vst v2  }
0x179: {  	v2 =	vld.idx.msk [tilespmem:v57+s3+$0x0], $0xffff;
	[tilespmem:s13+$0x9470] =	vst v6  }
0x17a: {  	s31 =	sor.u32 $0x1C60, s15;
	v3 =	vld.idx.msk [tilespmem:v3+s3+$0x0], $0xffff;
	[tilespmem:s30+$0x9000] =	vst v7  }
0x17b: {  	v6 =	vld [tilespmem:s31+$0x1000]  }
0x17c: {  	v9 =	vld [tilespmem:s11+$0x2840];
	[tilespmem:s12+$0xA010] =	vst v5  }
0x17d: {  	v5 =	vld.idx.msk [tilespmem:v8+s3+$0x0], $0xffff  }
0x17e: {  	v4 =	vld [tilespmem:s12+$0x2040];
	[tilespmem:s11+$0xA820] =	vst v2  }
0x17f: {  	v2 =	vld.idx.msk [tilespmem:v10+s3+$0x0], $0xffff  }
0x180: {  	v10 =	vld.idx.msk [tilespmem:v60+s3+$0x0], $0xffff;
	[tilespmem:s13+$0x9800] =	vst v3  }
0x181: {  	v3 =	vld.idx.msk [tilespmem:v59+s3+$0x0], $0xffff  }
0x182: {  	[tilespmem:s12+$0xA020] =	vst v5;
	v5 =	vld [tilespmem:s12+$0x2050]  }
0x183: {  	v8 =	vld.idx.msk [tilespmem:v6+s3+$0x0], $0xffff  }
0x184: {  	v7 =	vld [tilespmem:s13+$0x1830];
	[tilespmem:s11+$0xA830] =	vst v2  }
0x185: {  	v62 =	vld.idx.msk [tilespmem:v9+s3+$0x0], $0xffff  }
0x186: {  	[tilespmem:s17+$0x9000] =	vst v10;
	v10 =	vld [tilespmem:s17+$0x1020]  }
0x187: {  	v63 =	vld.idx.msk [tilespmem:v16+s3+$0x0], $0xffff;
	[tilespmem:s13+$0x9810] =	vst v3  }
0x188: {  	s16 =	sor.u32 $0x1C70, s15;
	v9 =	vld.idx.msk [tilespmem:v15+s3+$0x0], $0xffff;
	[tilespmem:s31+$0x9000] =	vst v8  }
0x189: {  	v2 =	vld [tilespmem:s16+$0x1000]  }
0x18a: {  	[tilespmem:s11+$0xA840] =	vst v62;
	v6 =	vld.idx.msk [tilespmem:v61+s3+$0x0], $0xffff  }
0x18b: {  	v3 =	vld.idx.msk [tilespmem:v11+s3+$0x0], $0xffff  }
0x18c: {  	s18 =	simm.s32 $0xFFFF9000;
	v11 =	vld [tilespmem:s17+$0x1030]  }
0x18d: {  	s19 =	simm.s32 $0x280;
	s15 =	simm.s32 $0x0;
	s14 =	simm.s32 $0x0;
	[tilespmem:s17+$0x9010] =	vst v63;
	v8 =	vld [tilespmem:s13+$0x1840]  }
.LBB2_2:
0x18e: {  	p0 =	sne.s32 s19, $0xF80;
	v10 =	vld.idx.msk [tilespmem:v10+s3+$0x0], $0xffff;
	[tilespmem:s13+$0x9820] =	vst v9  }
0x18f: {  	v7 =	vld.idx.msk [tilespmem:v7+s3+$0x0], $0xffff;
	[tilespmem:s12+$0xA030] =	vst v6  }
0x190: {  	v4 =	vld.idx.msk [tilespmem:v4+s3+$0x0], $0xffff  }
0x191: {  	[tilespmem:s11+$0xA850] =	vst v3;
	v2 =	vld.idx.msk [tilespmem:v2+s3+$0x0], $0xffff  }
0x192: {  	v1 =	vld.idx.msk [tilespmem:v1+s3+$0x0], $0xffff  }
0x193: {  	v3 =	vld [tilespmem:s12+$0x2060]  }
0x194: {  	[tilespmem:s17+$0x9020] =	vst v10;
	v6 =	vld [tilespmem:s13+$0x1850]  }
0x195: {  	v9 =	vld [tilespmem:s17+$0x1040];
	[tilespmem:s13+$0x9830] =	vst v7  }
0x196: {  	v7 =	vld.idx.msk [tilespmem:v11+s3+$0x0], $0xffff;
	[tilespmem:s12+$0xA040] =	vst v4  }
0x197: {  	v4 =	vld.idx.msk [tilespmem:v8+s3+$0x0], $0xffff;
	[tilespmem:s16+$0x9000] =	vst v2  }
0x198: {  	v2 =	vld.idx.msk [tilespmem:v5+s3+$0x0], $0xffff;
	[tilespmem:s11+$0xA860] =	vst v1  }
0x199: {  	v0 =	vld.idx.msk [tilespmem:v0+s3+$0x0], $0xffff  }
0x19a: {  	v1 =	vld [tilespmem:s12+$0x2070]  }
0x19b: {  	s15 =	sadd.s32 $0x1, s15;
	v5 =	vld [tilespmem:s13+$0x1860]  }
0x19c: {  	s16 =	sand.u32 $0x7, s15;
	[tilespmem:s17+$0x9030] =	vst v7;
	v7 =	vld [tilespmem:s17+$0x1050]  }
0x19d: {  	s14 =	sadd.s32 $0x400, s14;
	s16 =	sshll.u32 s16, $0x7;
	v8 =	vld.idx.msk [tilespmem:v9+s3+$0x0], $0xffff;
	[tilespmem:s13+$0x9840] =	vst v4  }
0x19e: {  	s16 =	sadd.s32 s16, s14;
	v4 =	vld.idx.msk [tilespmem:v6+s3+$0x0], $0xffff;
	[tilespmem:s12+$0xA050] =	vst v2  }
0x19f: {  	s20 =	sor.u32 $0x1C00, s16;
	v2 =	vld.idx.msk [tilespmem:v3+s3+$0x0], $0xffff;
	[tilespmem:s11+$0xA870] =	vst v0;
	s11 =	smov.u32 s12;
	s12 =	smov.u32 s13  }
0x1a0: {  	s13 =	smov.u32 s17;
	v3 =	vld [tilespmem:s20+$0x1000]  }
0x1a1: {  	v0 =	vld [tilespmem:s11+$0x2870]  }
0x1a2: {  	v6 =	vld [tilespmem:s11+$0x2400]  }
0x1a3: {  	v9 =	vld [tilespmem:s12+$0x1870]  }
0x1a4: {  	[tilespmem:s13+$0x9040] =	vst v8;
	v8 =	vld [tilespmem:s13+$0x1060]  }
0x1a5: {  	v7 =	vld.idx.msk [tilespmem:v7+s3+$0x0], $0xffff;
	[tilespmem:s12+$0x9850] =	vst v4  }
0x1a6: {  	v4 =	vld.idx.msk [tilespmem:v5+s3+$0x0], $0xffff;
	[tilespmem:s11+$0xA060] =	vst v2  }
0x1a7: {  	v1 =	vld.idx.msk [tilespmem:v1+s3+$0x0], $0xffff  }
0x1a8: {  	v2 =	vld.idx.msk [tilespmem:v3+s3+$0x0], $0xffff  }
0x1a9: {  	v3 =	vld [tilespmem:s11+$0x2410]  }
0x1aa: {  	v5 =	vld [tilespmem:s12+$0x1C00]  }
0x1ab: {  	[tilespmem:s13+$0x9050] =	vst v7;
	v7 =	vld [tilespmem:s13+$0x1070]  }
0x1ac: {  	v8 =	vld.idx.msk [tilespmem:v8+s3+$0x0], $0xffff;
	[tilespmem:s12+$0x9860] =	vst v4  }
0x1ad: {  	v4 =	vld.idx.msk [tilespmem:v9+s3+$0x0], $0xffff;
	[tilespmem:s11+$0xA070] =	vst v1  }
0x1ae: {  	s17 =	sor.u32 $0x1C10, s16;
	v6 =	vld.idx.msk [tilespmem:v6+s3+$0x0], $0xffff;
	[tilespmem:s20+$0x9000] =	vst v2  }
0x1af: {  	v2 =	vld [tilespmem:s17+$0x1000]  }
0x1b0: {  	v1 =	vld [tilespmem:s11+$0x2860]  }
0x1b1: {  	v9 =	vld [tilespmem:s11+$0x2420]  }
0x1b2: {  	v10 =	vld [tilespmem:s12+$0x1C10]  }
0x1b3: {  	[tilespmem:s13+$0x9060] =	vst v8;
	v8 =	vld [tilespmem:s13+$0x1400]  }
0x1b4: {  	v7 =	vld.idx.msk [tilespmem:v7+s3+$0x0], $0xffff;
	[tilespmem:s12+$0x9870] =	vst v4  }
0x1b5: {  	v4 =	vld.idx.msk [tilespmem:v5+s3+$0x0], $0xffff;
	[tilespmem:s11+$0xA400] =	vst v6  }
0x1b6: {  	v3 =	vld.idx.msk [tilespmem:v3+s3+$0x0], $0xffff  }
0x1b7: {  	v2 =	vld.idx.msk [tilespmem:v2+s3+$0x0], $0xffff  }
0x1b8: {  	v5 =	vld [tilespmem:s11+$0x2430]  }
0x1b9: {  	v6 =	vld [tilespmem:s12+$0x1C20]  }
0x1ba: {  	[tilespmem:s13+$0x9070] =	vst v7;
	v7 =	vld [tilespmem:s13+$0x1410]  }
0x1bb: {  	v8 =	vld.idx.msk [tilespmem:v8+s3+$0x0], $0xffff;
	[tilespmem:s12+$0x9C00] =	vst v4  }
0x1bc: {  	v4 =	vld.idx.msk [tilespmem:v10+s3+$0x0], $0xffff;
	[tilespmem:s11+$0xA410] =	vst v3  }
0x1bd: {  	v9 =	vld.idx.msk [tilespmem:v9+s3+$0x0], $0xffff;
	[tilespmem:s17+$0x9000] =	vst v2;
	s17 =	sor.u32 $0x1C20, s16  }
0x1be: {  	v2 =	vld [tilespmem:s17+$0x1000]  }
0x1bf: {  	v3 =	vld [tilespmem:s11+$0x2850]  }
0x1c0: {  	v10 =	vld [tilespmem:s11+$0x2440]  }
0x1c1: {  	v11 =	vld [tilespmem:s12+$0x1C30]  }
0x1c2: {  	[tilespmem:s13+$0x9400] =	vst v8;
	v8 =	vld [tilespmem:s13+$0x1420]  }
0x1c3: {  	v7 =	vld.idx.msk [tilespmem:v7+s3+$0x0], $0xffff;
	[tilespmem:s12+$0x9C10] =	vst v4  }
0x1c4: {  	v4 =	vld.idx.msk [tilespmem:v6+s3+$0x0], $0xffff;
	[tilespmem:s11+$0xA420] =	vst v9  }
0x1c5: {  	v5 =	vld.idx.msk [tilespmem:v5+s3+$0x0], $0xffff  }
0x1c6: {  	v2 =	vld.idx.msk [tilespmem:v2+s3+$0x0], $0xffff  }
0x1c7: {  	v6 =	vld [tilespmem:s11+$0x2450]  }
0x1c8: {  	v9 =	vld [tilespmem:s12+$0x1C40]  }
0x1c9: {  	[tilespmem:s13+$0x9410] =	vst v7;
	v7 =	vld [tilespmem:s13+$0x1430]  }
0x1ca: {  	v8 =	vld.idx.msk [tilespmem:v8+s3+$0x0], $0xffff;
	[tilespmem:s12+$0x9C20] =	vst v4  }
0x1cb: {  	v4 =	vld.idx.msk [tilespmem:v11+s3+$0x0], $0xffff;
	[tilespmem:s11+$0xA430] =	vst v5  }
0x1cc: {  	v5 =	vld.idx.msk [tilespmem:v10+s3+$0x0], $0xffff;
	[tilespmem:s17+$0x9000] =	vst v2;
	s17 =	sor.u32 $0x1C30, s16  }
0x1cd: {  	v10 =	vld [tilespmem:s17+$0x1000]  }
0x1ce: {  	v2 =	vld [tilespmem:s11+$0x2840]  }
0x1cf: {  	v11 =	vld [tilespmem:s11+$0x2460]  }
0x1d0: {  	v12 =	vld [tilespmem:s12+$0x1C50]  }
0x1d1: {  	[tilespmem:s13+$0x9420] =	vst v8;
	v8 =	vld [tilespmem:s13+$0x1440]  }
0x1d2: {  	v7 =	vld.idx.msk [tilespmem:v7+s3+$0x0], $0xffff;
	[tilespmem:s11+$0xA440] =	vst v5  }
0x1d3: {  	[tilespmem:s12+$0x9C30] =	vst v4;
	v4 =	vld.idx.msk [tilespmem:v6+s3+$0x0], $0xffff  }
0x1d4: {  	v5 =	vld.idx.msk [tilespmem:v9+s3+$0x0], $0xffff  }
0x1d5: {  	v6 =	vld.idx.msk [tilespmem:v10+s3+$0x0], $0xffff  }
0x1d6: {  	v9 =	vld [tilespmem:s11+$0x2470]  }
0x1d7: {  	v10 =	vld [tilespmem:s12+$0x1C60]  }
0x1d8: {  	[tilespmem:s13+$0x9430] =	vst v7;
	v7 =	vld [tilespmem:s13+$0x1450]  }
0x1d9: {  	v8 =	vld.idx.msk [tilespmem:v8+s3+$0x0], $0xffff;
	[tilespmem:s11+$0xA450] =	vst v4  }
0x1da: {  	[tilespmem:s12+$0x9C40] =	vst v5;
	v4 =	vld.idx.msk [tilespmem:v11+s3+$0x0], $0xffff  }
0x1db: {  	v5 =	vld.idx.msk [tilespmem:v12+s3+$0x0], $0xffff;
	[tilespmem:s17+$0x9000] =	vst v6;
	s17 =	sor.u32 $0x1C40, s16  }
0x1dc: {  	v6 =	vld [tilespmem:s17+$0x1000]  }
0x1dd: {  	v11 =	vld [tilespmem:s11+$0x2830]  }
0x1de: {  	v12 =	vld [tilespmem:s11+$0x2800]  }
0x1df: {  	v13 =	vld [tilespmem:s12+$0x1C70]  }
0x1e0: {  	v14 =	vld [tilespmem:s13+$0x1460];
	[tilespmem:s11+$0xA460] =	vst v4  }
0x1e1: {  	[tilespmem:s13+$0x9440] =	vst v8;
	v4 =	vld.idx.msk [tilespmem:v9+s3+$0x0], $0xffff  }
0x1e2: {  	v7 =	vld.idx.msk [tilespmem:v7+s3+$0x0], $0xffff;
	[tilespmem:s12+$0x9C50] =	vst v5  }
0x1e3: {  	v5 =	vld.idx.msk [tilespmem:v10+s3+$0x0], $0xffff  }
0x1e4: {  	v6 =	vld.idx.msk [tilespmem:v6+s3+$0x0], $0xffff  }
0x1e5: {  	v8 =	vld [tilespmem:s11+$0x2810]  }
0x1e6: {  	v9 =	vld [tilespmem:s12+$0x2000]  }
0x1e7: {  	v10 =	vld [tilespmem:s13+$0x1470];
	[tilespmem:s11+$0xA470] =	vst v4  }
0x1e8: {  	[tilespmem:s13+$0x9450] =	vst v7;
	v7 =	vld.idx.msk [tilespmem:v12+s3+$0x0], $0xffff  }
0x1e9: {  	v12 =	vld.idx.msk [tilespmem:v14+s3+$0x0], $0xffff;
	[tilespmem:s12+$0x9C60] =	vst v5  }
0x1ea: {  	s20 =	sor.u32 $0x1C50, s16;
	v5 =	vld.idx.msk [tilespmem:v13+s3+$0x0], $0xffff;
	[tilespmem:s17+$0x9000] =	vst v6  }
0x1eb: {  	v6 =	vld [tilespmem:s20+$0x1000]  }
0x1ec: {  	v13 =	vld [tilespmem:s11+$0x2820]  }
0x1ed: {  	v4 =	vld [tilespmem:s12+$0x2040]  }
0x1ee: {  	v14 =	vld [tilespmem:s12+$0x2010];
	[tilespmem:s11+$0xA800] =	vst v7  }
0x1ef: {  	v7 =	vld.idx.msk [tilespmem:v8+s3+$0x0], $0xffff  }
0x1f0: {  	[tilespmem:s13+$0x9460] =	vst v12;
	v8 =	vld [tilespmem:s13+$0x1800]  }
0x1f1: {  	v10 =	vld.idx.msk [tilespmem:v10+s3+$0x0], $0xffff;
	[tilespmem:s12+$0x9C70] =	vst v5  }
0x1f2: {  	v5 =	vld.idx.msk [tilespmem:v9+s3+$0x0], $0xffff  }
0x1f3: {  	s18 =	sadd.s32 $0x400, s18;
	v6 =	vld.idx.msk [tilespmem:v6+s3+$0x0], $0xffff  }
0x1f4: {  	s17 =	sadd.s32 $0x8000, s18;
	v9 =	vld [tilespmem:s12+$0x2020]  }
0x1f5: {  	s21 =	sand.u32 $0x380, s19;
	s17 =	sand.u32 $0x6000, s17;
	v12 =	vld [tilespmem:s13+$0x1810];
	[tilespmem:s11+$0xA810] =	vst v7  }
0x1f6: {  	s17 =	sor.u32 s21, s17;
	v7 =	vld.idx.msk [tilespmem:v13+s3+$0x0], $0xffff  }
0x1f7: {  	v13 =	vld [tilespmem:s17+$0x1000];
	[tilespmem:s13+$0x9470] =	vst v10  }
0x1f8: {  	v8 =	vld.idx.msk [tilespmem:v8+s3+$0x0], $0xffff;
	[tilespmem:s12+$0xA000] =	vst v5  }
0x1f9: {  	v5 =	vld.idx.msk [tilespmem:v14+s3+$0x0], $0xffff;
	[tilespmem:s20+$0x9000] =	vst v6;
	s20 =	sor.u32 $0x1C60, s16  }
0x1fa: {  	v6 =	vld [tilespmem:s20+$0x1000]  }
0x1fb: {  	v14 =	vld [tilespmem:s12+$0x2030]  }
0x1fc: {  	v15 =	vld [tilespmem:s13+$0x1820];
	[tilespmem:s11+$0xA820] =	vst v7  }
0x1fd: {  	v10 =	vld.idx.msk [tilespmem:v11+s3+$0x0], $0xffff  }
0x1fe: {  	v11 =	vld [tilespmem:s17+$0x1010]  }
0x1ff: {  	v13 =	vld.idx.msk [tilespmem:v13+s3+$0x0], $0xffff;
	[tilespmem:s13+$0x9800] =	vst v8  }
0x200: {  	v8 =	vld.idx.msk [tilespmem:v12+s3+$0x0], $0xffff;
	[tilespmem:s12+$0xA010] =	vst v5  }
0x201: {  	v5 =	vld.idx.msk [tilespmem:v9+s3+$0x0], $0xffff  }
0x202: {  	v12 =	vld.idx.msk [tilespmem:v6+s3+$0x0], $0xffff  }
0x203: {  	v7 =	vld [tilespmem:s13+$0x1830];
	[tilespmem:s11+$0xA830] =	vst v10  }
0x204: {  	v16 =	vld.idx.msk [tilespmem:v2+s3+$0x0], $0xffff  }
0x205: {  	[tilespmem:s17+$0x9000] =	vst v13;
	v10 =	vld [tilespmem:s17+$0x1020]  }
0x206: {  	v11 =	vld.idx.msk [tilespmem:v11+s3+$0x0], $0xffff;
	[tilespmem:s13+$0x9810] =	vst v8  }
0x207: {  	v9 =	vld.idx.msk [tilespmem:v15+s3+$0x0], $0xffff;
	[tilespmem:s12+$0xA020] =	vst v5  }
0x208: {  	s16 =	sor.u32 $0x1C70, s16;
	v6 =	vld.idx.msk [tilespmem:v14+s3+$0x0], $0xffff;
	[tilespmem:s20+$0x9000] =	vst v12  }
.Ltmp0:
0x209: {  	v2 =	vld [tilespmem:s16+$0x1000];
	(pc) =	sbr.rel @p0 .LBB2_2-.Ltmp0, $4  }
0x20a: {  	v5 =	vld [tilespmem:s12+$0x2050];
	[tilespmem:s11+$0xA840] =	vst v16  }
0x20b: {  	v3 =	vld.idx.msk [tilespmem:v3+s3+$0x0], $0xffff  }
0x20c: {  	v8 =	vld [tilespmem:s13+$0x1840]  }
0x20d: {  	s19 =	sadd.s32 $0x80, s19;
	[tilespmem:s17+$0x9010] =	vst v11;
	v11 =	vld [tilespmem:s17+$0x1030]  }
0x20e: {  	_ =	sdelay $0x3  }
0x20f: {  	v10 =	vld.idx.msk [tilespmem:v10+s3+$0x0], $0xffff;
	_ =	sdelay $0x3  }
0x210: {  	v48 =	vld [tilespmem:s17+$0x1040]  }
0x211: {  	[tilespmem:s17+$0x9020] =	vst v10  }
0x212: {  	v11 =	vld.idx.msk [tilespmem:v11+s3+$0x0], $0xffff;
	_ =	sdelay $0x3  }
0x213: {  	v49 =	vld [tilespmem:s17+$0x1050]  }
0x214: {  	[tilespmem:s17+$0x9030] =	vst v11  }
0x215: {  	v10 =	vld.idx.msk [tilespmem:v48+s3+$0x0], $0xffff;
	_ =	sdelay $0x3  }
0x216: {  	v50 =	vld [tilespmem:s17+$0x1060]  }
0x217: {  	[tilespmem:s17+$0x9040] =	vst v10  }
0x218: {  	v11 =	vld.idx.msk [tilespmem:v49+s3+$0x0], $0xffff;
	_ =	sdelay $0x3  }
0x219: {  	v51 =	vld [tilespmem:s17+$0x1070]  }
0x21a: {  	[tilespmem:s17+$0x9050] =	vst v11  }
0x21b: {  	v10 =	vld.idx.msk [tilespmem:v50+s3+$0x0], $0xffff;
	_ =	sdelay $0x3  }
0x21c: {  	v52 =	vld [tilespmem:s17+$0x1400]  }
0x21d: {  	[tilespmem:s17+$0x9060] =	vst v10  }
0x21e: {  	v11 =	vld.idx.msk [tilespmem:v51+s3+$0x0], $0xffff;
	_ =	sdelay $0x3  }
0x21f: {  	v53 =	vld [tilespmem:s17+$0x1410]  }
0x220: {  	[tilespmem:s17+$0x9070] =	vst v11  }
0x221: {  	v10 =	vld.idx.msk [tilespmem:v52+s3+$0x0], $0xffff;
	_ =	sdelay $0x3  }
0x222: {  	v54 =	vld [tilespmem:s17+$0x1420]  }
0x223: {  	[tilespmem:s17+$0x9400] =	vst v10  }
0x224: {  	v11 =	vld.idx.msk [tilespmem:v53+s3+$0x0], $0xffff;
	_ =	sdelay $0x3  }
0x225: {  	v55 =	vld [tilespmem:s17+$0x1430]  }
0x226: {  	[tilespmem:s17+$0x9410] =	vst v11  }
0x227: {  	v10 =	vld.idx.msk [tilespmem:v54+s3+$0x0], $0xffff;
	_ =	sdelay $0x3  }
0x228: {  	v56 =	vld [tilespmem:s17+$0x1440]  }
0x229: {  	[tilespmem:s17+$0x9420] =	vst v10  }
0x22a: {  	v11 =	vld.idx.msk [tilespmem:v55+s3+$0x0], $0xffff;
	_ =	sdelay $0x3  }
0x22b: {  	v57 =	vld [tilespmem:s17+$0x1450]  }
0x22c: {  	[tilespmem:s17+$0x9430] =	vst v11  }
0x22d: {  	v10 =	vld.idx.msk [tilespmem:v56+s3+$0x0], $0xffff;
	_ =	sdelay $0x3  }
0x22e: {  	v12 =	vld [tilespmem:s17+$0x1460]  }
0x22f: {  	[tilespmem:s17+$0x9440] =	vst v10  }
0x230: {  	v10 =	vld.idx.msk [tilespmem:v57+s3+$0x0], $0xffff;
	_ =	sdelay $0x3  }
0x231: {  	v58 =	vld [tilespmem:s17+$0x1470]  }
0x232: {  	[tilespmem:s17+$0x9450] =	vst v10  }
0x233: {  	v10 =	vld.idx.msk [tilespmem:v12+s3+$0x0], $0xffff;
	_ =	sdelay $0x3  }
0x234: {  	v59 =	vld [tilespmem:s17+$0x1800]  }
0x235: {  	[tilespmem:s17+$0x9460] =	vst v10  }
0x236: {  	v11 =	vld.idx.msk [tilespmem:v58+s3+$0x0], $0xffff;
	_ =	sdelay $0x3  }
0x237: {  	v60 =	vld [tilespmem:s17+$0x1810]  }
0x238: {  	[tilespmem:s17+$0x9470] =	vst v11  }
0x239: {  	v10 =	vld.idx.msk [tilespmem:v59+s3+$0x0], $0xffff;
	_ =	sdelay $0x3  }
0x23a: {  	v61 =	vld [tilespmem:s17+$0x1820]  }
0x23b: {  	[tilespmem:s17+$0x9800] =	vst v10  }
0x23c: {  	v10 =	vld.idx.msk [tilespmem:v60+s3+$0x0], $0xffff;
	_ =	sdelay $0x3  }
0x23d: {  	v62 =	vld [tilespmem:s17+$0x1830]  }
0x23e: {  	[tilespmem:s17+$0x9810] =	vst v10  }
0x23f: {  	v10 =	vld.idx.msk [tilespmem:v61+s3+$0x0], $0xffff;
	_ =	sdelay $0x3  }
0x240: {  	[tilespmem:s13+$0x9820] =	vst v9;
	v63 =	vld [tilespmem:s17+$0x1840]  }
0x241: {  	v7 =	vld.idx.msk [tilespmem:v7+s3+$0x0], $0xffff;
	[tilespmem:s17+$0x9820] =	vst v10  }
0x242: {  	v10 =	vld.idx.msk [tilespmem:v62+s3+$0x0], $0xffff;
	_ =	sdelay $0x2  }
0x243: {  	v12 =	vld [tilespmem:s13+$0x1850]  }
0x244: {  	v13 =	vld [tilespmem:s17+$0x1850];
	[tilespmem:s13+$0x9830] =	vst v7  }
0x245: {  	v8 =	vld.idx.msk [tilespmem:v8+s3+$0x0], $0xffff;
	[tilespmem:s17+$0x9830] =	vst v10  }
0x246: {  	v9 =	vld.idx.msk [tilespmem:v63+s3+$0x0], $0xffff;
	_ =	sdelay $0x2  }
0x247: {  	v14 =	vld [tilespmem:s13+$0x1860]  }
0x248: {  	v15 =	vld [tilespmem:s17+$0x1860];
	[tilespmem:s13+$0x9840] =	vst v8  }
0x249: {  	v11 =	vld.idx.msk [tilespmem:v12+s3+$0x0], $0xffff;
	[tilespmem:s17+$0x9840] =	vst v9  }
0x24a: {  	v7 =	vld.idx.msk [tilespmem:v13+s3+$0x0], $0xffff;
	_ =	sdelay $0x2  }
0x24b: {  	v16 =	vld [tilespmem:s13+$0x1870]  }
0x24c: {  	v17 =	vld [tilespmem:s17+$0x1870];
	[tilespmem:s13+$0x9850] =	vst v11  }
0x24d: {  	v10 =	vld.idx.msk [tilespmem:v14+s3+$0x0], $0xffff;
	[tilespmem:s17+$0x9850] =	vst v7  }
0x24e: {  	v7 =	vld.idx.msk [tilespmem:v15+s3+$0x0], $0xffff;
	_ =	sdelay $0x2  }
0x24f: {  	v18 =	vld [tilespmem:s13+$0x1C00]  }
0x250: {  	v19 =	vld [tilespmem:s17+$0x1C00];
	[tilespmem:s13+$0x9860] =	vst v10  }
0x251: {  	v9 =	vld.idx.msk [tilespmem:v16+s3+$0x0], $0xffff;
	[tilespmem:s17+$0x9860] =	vst v7  }
0x252: {  	v7 =	vld.idx.msk [tilespmem:v17+s3+$0x0], $0xffff;
	_ =	sdelay $0x2  }
0x253: {  	v20 =	vld [tilespmem:s13+$0x1C10]  }
0x254: {  	v21 =	vld [tilespmem:s17+$0x1C10];
	[tilespmem:s13+$0x9870] =	vst v9  }
0x255: {  	v8 =	vld.idx.msk [tilespmem:v18+s3+$0x0], $0xffff;
	[tilespmem:s17+$0x9870] =	vst v7  }
0x256: {  	v7 =	vld.idx.msk [tilespmem:v19+s3+$0x0], $0xffff;
	_ =	sdelay $0x2  }
0x257: {  	v22 =	vld [tilespmem:s13+$0x1C20]  }
0x258: {  	v23 =	vld [tilespmem:s17+$0x1C20];
	[tilespmem:s13+$0x9C00] =	vst v8  }
0x259: {  	v11 =	vld.idx.msk [tilespmem:v20+s3+$0x0], $0xffff;
	[tilespmem:s17+$0x9C00] =	vst v7  }
0x25a: {  	v24 =	vld.idx.msk [tilespmem:v21+s3+$0x0], $0xffff;
	_ =	sdelay $0x2  }
0x25b: {  	v26 =	vld [tilespmem:s13+$0x1C30]  }
0x25c: {  	v27 =	vld [tilespmem:s17+$0x1C30];
	[tilespmem:s13+$0x9C10] =	vst v11  }
0x25d: {  	v10 =	vld.idx.msk [tilespmem:v22+s3+$0x0], $0xffff;
	[tilespmem:s17+$0x9C10] =	vst v24  }
0x25e: {  	[tilespmem:s12+$0xA030] =	vst v6;
	v28 =	vld.idx.msk [tilespmem:v23+s3+$0x0], $0xffff  }
0x25f: {  	v4 =	vld.idx.msk [tilespmem:v4+s3+$0x0], $0xffff;
	_ =	sdelay $0x1  }
0x260: {  	v30 =	vld [tilespmem:s13+$0x1C40]  }
0x261: {  	v31 =	vld [tilespmem:s17+$0x1C40];
	[tilespmem:s13+$0x9C20] =	vst v10  }
0x262: {  	v9 =	vld.idx.msk [tilespmem:v26+s3+$0x0], $0xffff;
	[tilespmem:s17+$0x9C20] =	vst v28  }
0x263: {  	[tilespmem:s12+$0xA040] =	vst v4;
	v4 =	vld.idx.msk [tilespmem:v27+s3+$0x0], $0xffff;
	_ =	sdelay $0x1  }
0x264: {  	v25 =	vld [tilespmem:s12+$0x2060]  }
0x265: {  	v32 =	vld [tilespmem:s13+$0x1C50]  }
0x266: {  	v33 =	vld [tilespmem:s17+$0x1C50];
	[tilespmem:s13+$0x9C30] =	vst v9  }
0x267: {  	v8 =	vld.idx.msk [tilespmem:v30+s3+$0x0], $0xffff;
	[tilespmem:s17+$0x9C30] =	vst v4  }
0x268: {  	v10 =	vld.idx.msk [tilespmem:v31+s3+$0x0], $0xffff  }
0x269: {  	v5 =	vld.idx.msk [tilespmem:v5+s3+$0x0], $0xffff;
	_ =	sdelay $0x1  }
0x26a: {  	v35 =	vld [tilespmem:s13+$0x1C60]  }
0x26b: {  	v36 =	vld [tilespmem:s17+$0x1C60];
	[tilespmem:s13+$0x9C40] =	vst v8  }
0x26c: {  	v7 =	vld.idx.msk [tilespmem:v32+s3+$0x0], $0xffff;
	[tilespmem:s17+$0x9C40] =	vst v10  }
0x26d: {  	[tilespmem:s12+$0xA050] =	vst v5;
	v37 =	vld.idx.msk [tilespmem:v33+s3+$0x0], $0xffff  }
0x26e: {  	v5 =	vld.idx.msk [tilespmem:v25+s3+$0x0], $0xffff;
	_ =	sdelay $0x1  }
0x26f: {  	v39 =	vld [tilespmem:s13+$0x1C70]  }
0x270: {  	v40 =	vld [tilespmem:s17+$0x1C70];
	[tilespmem:s13+$0x9C50] =	vst v7  }
0x271: {  	v12 =	vld.idx.msk [tilespmem:v35+s3+$0x0], $0xffff;
	[tilespmem:s17+$0x9C50] =	vst v37  }
0x272: {  	[tilespmem:s12+$0xA060] =	vst v5;
	v5 =	vld.idx.msk [tilespmem:v36+s3+$0x0], $0xffff;
	_ =	sdelay $0x2  }
0x273: {  	v41 =	vld [tilespmem:s13+$0x2000]  }
0x274: {  	v42 =	vld [tilespmem:s17+$0x2000];
	[tilespmem:s13+$0x9C60] =	vst v12  }
0x275: {  	v10 =	vld.idx.msk [tilespmem:v39+s3+$0x0], $0xffff;
	[tilespmem:s17+$0x9C60] =	vst v5  }
0x276: {  	v5 =	vld.idx.msk [tilespmem:v40+s3+$0x0], $0xffff;
	_ =	sdelay $0x2  }
0x277: {  	v44 =	vld [tilespmem:s13+$0x2010]  }
0x278: {  	v45 =	vld [tilespmem:s17+$0x2010];
	[tilespmem:s13+$0x9C70] =	vst v10  }
0x279: {  	v8 =	vld.idx.msk [tilespmem:v41+s3+$0x0], $0xffff;
	[tilespmem:s17+$0x9C70] =	vst v5  }
0x27a: {  	v11 =	vld.idx.msk [tilespmem:v42+s3+$0x0], $0xffff;
	_ =	sdelay $0x1  }
0x27b: {  	v29 =	vld [tilespmem:s12+$0x2070]  }
0x27c: {  	v15 =	vld [tilespmem:s13+$0x2020]  }
0x27d: {  	v46 =	vld [tilespmem:s17+$0x2020];
	[tilespmem:s13+$0xA000] =	vst v8  }
0x27e: {  	v12 =	vld.idx.msk [tilespmem:v44+s3+$0x0], $0xffff;
	[tilespmem:s17+$0xA000] =	vst v11  }
0x27f: {  	v47 =	vld.idx.msk [tilespmem:v45+s3+$0x0], $0xffff;
	_ =	sdelay $0x1  }
0x280: {  	v34 =	vld [tilespmem:s12+$0x2400]  }
0x281: {  	v49 =	vld [tilespmem:s13+$0x2030]  }
0x282: {  	v50 =	vld [tilespmem:s17+$0x2030];
	[tilespmem:s13+$0xA010] =	vst v12  }
0x283: {  	v15 =	vld.idx.msk [tilespmem:v15+s3+$0x0], $0xffff;
	[tilespmem:s17+$0xA010] =	vst v47  }
0x284: {  	v8 =	vld.idx.msk [tilespmem:v46+s3+$0x0], $0xffff  }
0x285: {  	v6 =	vld.idx.msk [tilespmem:v29+s3+$0x0], $0xffff  }
0x286: {  	v38 =	vld [tilespmem:s12+$0x2410]  }
0x287: {  	v43 =	vld [tilespmem:s13+$0x2040]  }
0x288: {  	v13 =	vld [tilespmem:s17+$0x2040];
	[tilespmem:s13+$0xA020] =	vst v15  }
0x289: {  	v11 =	vld.idx.msk [tilespmem:v49+s3+$0x0], $0xffff;
	[tilespmem:s17+$0xA020] =	vst v8  }
0x28a: {  	[tilespmem:s12+$0xA070] =	vst v6;
	v8 =	vld.idx.msk [tilespmem:v50+s3+$0x0], $0xffff  }
0x28b: {  	v6 =	vld.idx.msk [tilespmem:v34+s3+$0x0], $0xffff  }
0x28c: {  	v53 =	vld [tilespmem:s13+$0x2050]  }
0x28d: {  	v54 =	vld [tilespmem:s17+$0x2050]  }
0x28e: {  	v14 =	vld [tilespmem:s12+$0x2420];
	[tilespmem:s13+$0xA030] =	vst v11  }
0x28f: {  	v7 =	vld.idx.msk [tilespmem:v43+s3+$0x0], $0xffff;
	[tilespmem:s17+$0xA030] =	vst v8  }
0x290: {  	[tilespmem:s12+$0xA400] =	vst v6;
	v8 =	vld.idx.msk [tilespmem:v13+s3+$0x0], $0xffff  }
0x291: {  	v9 =	vld.idx.msk [tilespmem:v38+s3+$0x0], $0xffff  }
0x292: {  	v48 =	vld [tilespmem:s12+$0x2430]  }
0x293: {  	v55 =	vld [tilespmem:s13+$0x2060]  }
0x294: {  	v56 =	vld [tilespmem:s17+$0x2060];
	[tilespmem:s13+$0xA040] =	vst v7  }
0x295: {  	v12 =	vld.idx.msk [tilespmem:v53+s3+$0x0], $0xffff;
	[tilespmem:s17+$0xA040] =	vst v8  }
0x296: {  	[tilespmem:s12+$0xA410] =	vst v9;
	v8 =	vld.idx.msk [tilespmem:v54+s3+$0x0], $0xffff  }
0x297: {  	v9 =	vld.idx.msk [tilespmem:v14+s3+$0x0], $0xffff  }
0x298: {  	v51 =	vld [tilespmem:s12+$0x2440]  }
0x299: {  	v59 =	vld [tilespmem:s13+$0x2070]  }
0x29a: {  	v60 =	vld [tilespmem:s17+$0x2070];
	[tilespmem:s13+$0xA050] =	vst v12  }
0x29b: {  	v13 =	vld.idx.msk [tilespmem:v55+s3+$0x0], $0xffff;
	[tilespmem:s17+$0xA050] =	vst v8  }
0x29c: {  	[tilespmem:s12+$0xA420] =	vst v9;
	v16 =	vld.idx.msk [tilespmem:v56+s3+$0x0], $0xffff  }
0x29d: {  	v9 =	vld.idx.msk [tilespmem:v48+s3+$0x0], $0xffff;
	_ =	sdelay $0x1  }
0x29e: {  	v17 =	vld [tilespmem:s13+$0x2400]  }
0x29f: {  	v61 =	vld [tilespmem:s17+$0x2400];
	[tilespmem:s13+$0xA060] =	vst v13  }
0x2a0: {  	v15 =	vld.idx.msk [tilespmem:v59+s3+$0x0], $0xffff;
	[tilespmem:s17+$0xA060] =	vst v16  }
0x2a1: {  	[tilespmem:s12+$0xA430] =	vst v9;
	v62 =	vld.idx.msk [tilespmem:v60+s3+$0x0], $0xffff  }
0x2a2: {  	v9 =	vld.idx.msk [tilespmem:v51+s3+$0x0], $0xffff;
	_ =	sdelay $0x1  }
0x2a3: {  	v27 =	vld [tilespmem:s13+$0x2410]  }
0x2a4: {  	v28 =	vld [tilespmem:s17+$0x2410];
	[tilespmem:s13+$0xA070] =	vst v15  }
0x2a5: {  	v17 =	vld.idx.msk [tilespmem:v17+s3+$0x0], $0xffff;
	[tilespmem:s17+$0xA070] =	vst v62  }
0x2a6: {  	[tilespmem:s12+$0xA440] =	vst v9;
	v9 =	vld.idx.msk [tilespmem:v61+s3+$0x0], $0xffff;
	_ =	sdelay $0x2  }
0x2a7: {  	v18 =	vld [tilespmem:s13+$0x2420]  }
0x2a8: {  	v30 =	vld [tilespmem:s17+$0x2420];
	[tilespmem:s13+$0xA400] =	vst v17  }
0x2a9: {  	v16 =	vld.idx.msk [tilespmem:v27+s3+$0x0], $0xffff;
	[tilespmem:s17+$0xA400] =	vst v9  }
0x2aa: {  	v9 =	vld.idx.msk [tilespmem:v28+s3+$0x0], $0xffff;
	_ =	sdelay $0x2  }
0x2ab: {  	v31 =	vld [tilespmem:s13+$0x2430]  }
0x2ac: {  	v32 =	vld [tilespmem:s17+$0x2430];
	[tilespmem:s13+$0xA410] =	vst v16  }
0x2ad: {  	v16 =	vld.idx.msk [tilespmem:v18+s3+$0x0], $0xffff;
	[tilespmem:s17+$0xA410] =	vst v9  }
0x2ae: {  	v9 =	vld.idx.msk [tilespmem:v30+s3+$0x0], $0xffff;
	_ =	sdelay $0x1  }
0x2af: {  	v34 =	vld [tilespmem:s13+$0x2440]  }
0x2b0: {  	v52 =	vld [tilespmem:s12+$0x2450]  }
0x2b1: {  	v35 =	vld [tilespmem:s17+$0x2440];
	[tilespmem:s13+$0xA420] =	vst v16  }
0x2b2: {  	v14 =	vld.idx.msk [tilespmem:v31+s3+$0x0], $0xffff;
	[tilespmem:s17+$0xA420] =	vst v9  }
0x2b3: {  	v9 =	vld.idx.msk [tilespmem:v32+s3+$0x0], $0xffff;
	_ =	sdelay $0x1  }
0x2b4: {  	v58 =	vld [tilespmem:s12+$0x2460]  }
0x2b5: {  	v22 =	vld [tilespmem:s13+$0x2450]  }
0x2b6: {  	v37 =	vld [tilespmem:s17+$0x2450];
	[tilespmem:s13+$0xA430] =	vst v14  }
0x2b7: {  	v18 =	vld.idx.msk [tilespmem:v34+s3+$0x0], $0xffff;
	[tilespmem:s17+$0xA430] =	vst v9  }
0x2b8: {  	v9 =	vld.idx.msk [tilespmem:v35+s3+$0x0], $0xffff  }
0x2b9: {  	v63 =	vld [tilespmem:s12+$0x2470]  }
0x2ba: {  	v10 =	vld.idx.msk [tilespmem:v52+s3+$0x0], $0xffff  }
0x2bb: {  	v23 =	vld [tilespmem:s13+$0x2460]  }
0x2bc: {  	v39 =	vld [tilespmem:s17+$0x2460];
	[tilespmem:s13+$0xA440] =	vst v18  }
0x2bd: {  	v22 =	vld.idx.msk [tilespmem:v22+s3+$0x0], $0xffff;
	[tilespmem:s17+$0xA440] =	vst v9  }
0x2be: {  	v9 =	vld.idx.msk [tilespmem:v37+s3+$0x0], $0xffff  }
0x2bf: {  	v21 =	vld [tilespmem:s12+$0x2800];
	[tilespmem:s12+$0xA450] =	vst v10  }
0x2c0: {  	v10 =	vld.idx.msk [tilespmem:v58+s3+$0x0], $0xffff  }
0x2c1: {  	v41 =	vld [tilespmem:s13+$0x2470]  }
0x2c2: {  	v42 =	vld [tilespmem:s17+$0x2470];
	[tilespmem:s13+$0xA450] =	vst v22  }
0x2c3: {  	v23 =	vld.idx.msk [tilespmem:v23+s3+$0x0], $0xffff;
	[tilespmem:s17+$0xA450] =	vst v9  }
0x2c4: {  	[tilespmem:s11+$0xA850] =	vst v3;
	v9 =	vld.idx.msk [tilespmem:v39+s3+$0x0], $0xffff  }
0x2c5: {  	v1 =	vld.idx.msk [tilespmem:v1+s3+$0x0], $0xffff;
	[tilespmem:s12+$0xA460] =	vst v10  }
0x2c6: {  	v10 =	vld.idx.msk [tilespmem:v63+s3+$0x0], $0xffff  }
0x2c7: {  	v25 =	vld [tilespmem:s13+$0x2800]  }
0x2c8: {  	v44 =	vld [tilespmem:s17+$0x2800];
	[tilespmem:s13+$0xA460] =	vst v23  }
0x2c9: {  	v14 =	vld.idx.msk [tilespmem:v41+s3+$0x0], $0xffff;
	[tilespmem:s17+$0xA460] =	vst v9  }
0x2ca: {  	v9 =	vld.idx.msk [tilespmem:v42+s3+$0x0], $0xffff  }
0x2cb: {  	v40 =	vld [tilespmem:s12+$0x2810];
	[tilespmem:s12+$0xA470] =	vst v10  }
0x2cc: {  	v10 =	vld.idx.msk [tilespmem:v21+s3+$0x0], $0xffff  }
0x2cd: {  	v46 =	vld [tilespmem:s13+$0x2810]  }
0x2ce: {  	v47 =	vld [tilespmem:s17+$0x2810];
	[tilespmem:s13+$0xA470] =	vst v14  }
0x2cf: {  	v48 =	vld.idx.msk [tilespmem:v25+s3+$0x0], $0xffff;
	[tilespmem:s17+$0xA470] =	vst v9  }
0x2d0: {  	v23 =	vld.idx.msk [tilespmem:v44+s3+$0x0], $0xffff  }
0x2d1: {  	v49 =	vld [tilespmem:s13+$0x2820]  }
0x2d2: {  	v45 =	vld [tilespmem:s12+$0x2820];
	[tilespmem:s12+$0xA800] =	vst v10  }
0x2d3: {  	v10 =	vld.idx.msk [tilespmem:v40+s3+$0x0], $0xffff  }
0x2d4: {  	v50 =	vld [tilespmem:s17+$0x2820];
	[tilespmem:s13+$0xA800] =	vst v48  }
0x2d5: {  	v22 =	vld.idx.msk [tilespmem:v46+s3+$0x0], $0xffff;
	[tilespmem:s17+$0xA800] =	vst v23  }
0x2d6: {  	v14 =	vld.idx.msk [tilespmem:v47+s3+$0x0], $0xffff  }
0x2d7: {  	v26 =	vld [tilespmem:s17+$0x2830]  }
0x2d8: {  	v36 =	vld [tilespmem:s12+$0x2830]  }
0x2d9: {  	v43 =	vld [tilespmem:s13+$0x2830];
	[tilespmem:s12+$0xA810] =	vst v10  }
0x2da: {  	v10 =	vld.idx.msk [tilespmem:v45+s3+$0x0], $0xffff;
	[tilespmem:s13+$0xA810] =	vst v22  }
0x2db: {  	v12 =	vld.idx.msk [tilespmem:v49+s3+$0x0], $0xffff;
	[tilespmem:s17+$0xA810] =	vst v14  }
0x2dc: {  	v9 =	vld.idx.msk [tilespmem:v50+s3+$0x0], $0xffff  }
0x2dd: {  	v57 =	vld [tilespmem:s12+$0x2840]  }
0x2de: {  	v38 =	vld [tilespmem:s13+$0x2840]  }
0x2df: {  	v24 =	vld [tilespmem:s17+$0x2840];
	[tilespmem:s12+$0xA820] =	vst v10  }
0x2e0: {  	v10 =	vld.idx.msk [tilespmem:v36+s3+$0x0], $0xffff;
	[tilespmem:s13+$0xA820] =	vst v12  }
0x2e1: {  	v51 =	vld.idx.msk [tilespmem:v43+s3+$0x0], $0xffff;
	[tilespmem:s17+$0xA820] =	vst v9  }
0x2e2: {  	v52 =	vld.idx.msk [tilespmem:v26+s3+$0x0], $0xffff  }
0x2e3: {  	v6 =	vld [tilespmem:s12+$0x2850]  }
0x2e4: {  	v20 =	vld [tilespmem:s17+$0x2850]  }
0x2e5: {  	v33 =	vld [tilespmem:s13+$0x2850];
	[tilespmem:s12+$0xA830] =	vst v10  }
0x2e6: {  	v53 =	vld.idx.msk [tilespmem:v57+s3+$0x0], $0xffff;
	[tilespmem:s13+$0xA830] =	vst v51  }
0x2e7: {  	v54 =	vld.idx.msk [tilespmem:v38+s3+$0x0], $0xffff;
	[tilespmem:s17+$0xA830] =	vst v52  }
0x2e8: {  	v55 =	vld.idx.msk [tilespmem:v24+s3+$0x0], $0xffff  }
0x2e9: {  	v29 =	vld [tilespmem:s13+$0x2860]  }
0x2ea: {  	v5 =	vld [tilespmem:s12+$0x2860]  }
0x2eb: {  	v19 =	vld [tilespmem:s17+$0x2860];
	[tilespmem:s12+$0xA840] =	vst v53  }
0x2ec: {  	v6 =	vld.idx.msk [tilespmem:v6+s3+$0x0], $0xffff;
	[tilespmem:s13+$0xA840] =	vst v54  }
0x2ed: {  	v56 =	vld.idx.msk [tilespmem:v33+s3+$0x0], $0xffff;
	[tilespmem:s17+$0xA840] =	vst v55  }
0x2ee: {  	v57 =	vld.idx.msk [tilespmem:v20+s3+$0x0], $0xffff  }
0x2ef: {  	v4 =	vld [tilespmem:s12+$0x2870]  }
0x2f0: {  	v7 =	vld [tilespmem:s17+$0x2870]  }
0x2f1: {  	v8 =	vld [tilespmem:s13+$0x2870];
	[tilespmem:s12+$0xA850] =	vst v6  }
0x2f2: {  	v58 =	vld.idx.msk [tilespmem:v5+s3+$0x0], $0xffff;
	[tilespmem:s13+$0xA850] =	vst v56  }
0x2f3: {  	v59 =	vld.idx.msk [tilespmem:v29+s3+$0x0], $0xffff;
	[tilespmem:s17+$0xA850] =	vst v57  }
0x2f4: {  	v60 =	vld.idx.msk [tilespmem:v19+s3+$0x0], $0xffff;
	_ =	sdelay $0x1  }
0x2f5: {  	s15 =	sadd.s32 $0x1, s15;
	[tilespmem:s11+$0xA860] =	vst v1  }
0x2f6: {  	s18 =	sand.u32 $0x7, s15;
	s19 =	sadd.s32 $0x1, s15;
	v0 =	vld.idx.msk [tilespmem:v0+s3+$0x0], $0xffff;
	[tilespmem:s12+$0xA860] =	vst v58  }
0x2f7: {  	s22 =	sadd.s32 $0x400, s14;
	s21 =	sshll.u32 s18, $0x7;
	s20 =	sand.u32 $0x7, s19;
	v61 =	vld.idx.msk [tilespmem:v4+s3+$0x0], $0xffff;
	[tilespmem:s13+$0xA860] =	vst v59  }
0x2f8: {  	s18 =	sadd.s32 $0x400, s22;
	s19 =	sadd.s32 $0x1, s19;
	s14 =	sadd.s32 s21, s22;
	v62 =	vld.idx.msk [tilespmem:v8+s3+$0x0], $0xffff;
	[tilespmem:s17+$0xA860] =	vst v60  }
0x2f9: {  	s23 =	sshll.u32 s20, $0x7;
	s22 =	sand.u32 $0x7, s19;
	s19 =	sadd.s32 $0x1, s19;
	v63 =	vld.idx.msk [tilespmem:v7+s3+$0x0], $0xffff  }
0x2fa: {  	s24 =	sor.u32 $0x1C00, s14;
	s15 =	sadd.s32 s23, s18;
	s25 =	sshll.u32 s22, $0x7  }
0x2fb: {  	s18 =	sadd.s32 $0x400, s18;
	s19 =	sand.u32 $0x7, s19;
	s21 =	sor.u32 $0x1C00, s15;
	[tilespmem:s11+$0xA870] =	vst v0  }
0x2fc: {  	s26 =	sshll.u32 s19, $0x7;
	s11 =	sadd.s32 s25, s18;
	s18 =	sadd.s32 $0x400, s18;
	v0 =	vld [tilespmem:s24+$0x1000];
	[tilespmem:s12+$0xA870] =	vst v61  }
0x2fd: {  	s28 =	sor.u32 $0x1C00, s11;
	s12 =	sadd.s32 s26, s18;
	v1 =	vld [tilespmem:s21+$0x1000];
	[tilespmem:s13+$0xA870] =	vst v62  }
0x2fe: {  	s29 =	sor.u32 $0x1C00, s12;
	v3 =	vld [tilespmem:s28+$0x1000];
	[tilespmem:s17+$0xA870] =	vst v63  }
0x2ff: {  	v4 =	vld [tilespmem:s29+$0x1000];
	_ =	sdelay $0x4  }
0x300: {  	v0 =	vld.idx.msk [tilespmem:v0+s3+$0x0], $0xffff  }
0x301: {  	v1 =	vld.idx.msk [tilespmem:v1+s3+$0x0], $0xffff  }
0x302: {  	v3 =	vld.idx.msk [tilespmem:v3+s3+$0x0], $0xffff  }
0x303: {  	v4 =	vld.idx.msk [tilespmem:v4+s3+$0x0], $0xffff;
	_ =	sdelay $0x1  }
0x304: {  	s30 =	sor.u32 $0x1C10, s14;
	[tilespmem:s24+$0x9000] =	vst v0  }
0x305: {  	s31 =	sor.u32 $0x1C10, s15;
	v0 =	vld [tilespmem:s30+$0x1000];
	[tilespmem:s21+$0x9000] =	vst v1  }
0x306: {  	s20 =	sor.u32 $0x1C10, s11;
	v1 =	vld [tilespmem:s31+$0x1000];
	[tilespmem:s28+$0x9000] =	vst v3  }
0x307: {  	s21 =	sor.u32 $0x1C10, s12;
	v3 =	vld [tilespmem:s20+$0x1000];
	[tilespmem:s29+$0x9000] =	vst v4  }
0x308: {  	v4 =	vld [tilespmem:s21+$0x1000];
	_ =	sdelay $0x4  }
0x309: {  	v0 =	vld.idx.msk [tilespmem:v0+s3+$0x0], $0xffff  }
0x30a: {  	v1 =	vld.idx.msk [tilespmem:v1+s3+$0x0], $0xffff  }
0x30b: {  	v3 =	vld.idx.msk [tilespmem:v3+s3+$0x0], $0xffff  }
0x30c: {  	v4 =	vld.idx.msk [tilespmem:v4+s3+$0x0], $0xffff;
	_ =	sdelay $0x1  }
0x30d: {  	s22 =	sor.u32 $0x1C20, s14;
	[tilespmem:s30+$0x9000] =	vst v0  }
0x30e: {  	s23 =	sor.u32 $0x1C20, s15;
	v0 =	vld [tilespmem:s22+$0x1000];
	[tilespmem:s31+$0x9000] =	vst v1  }
0x30f: {  	s24 =	sor.u32 $0x1C20, s11;
	v1 =	vld [tilespmem:s23+$0x1000];
	[tilespmem:s20+$0x9000] =	vst v3  }
0x310: {  	s25 =	sor.u32 $0x1C20, s12;
	v3 =	vld [tilespmem:s24+$0x1000];
	[tilespmem:s21+$0x9000] =	vst v4  }
0x311: {  	v4 =	vld [tilespmem:s25+$0x1000];
	_ =	sdelay $0x4  }
0x312: {  	v0 =	vld.idx.msk [tilespmem:v0+s3+$0x0], $0xffff  }
0x313: {  	v1 =	vld.idx.msk [tilespmem:v1+s3+$0x0], $0xffff  }
0x314: {  	v3 =	vld.idx.msk [tilespmem:v3+s3+$0x0], $0xffff  }
0x315: {  	v4 =	vld.idx.msk [tilespmem:v4+s3+$0x0], $0xffff;
	_ =	sdelay $0x1  }
0x316: {  	[tilespmem:s22+$0x9000] =	vst v0;
	s26 =	sor.u32 $0x1C30, s14  }
0x317: {  	v0 =	vld [tilespmem:s26+$0x1000];
	[tilespmem:s23+$0x9000] =	vst v1;
	s28 =	sor.u32 $0x1C30, s15  }
0x318: {  	v1 =	vld [tilespmem:s28+$0x1000];
	s29 =	sor.u32 $0x1C30, s11;
	[tilespmem:s24+$0x9000] =	vst v3  }
0x319: {  	s30 =	sor.u32 $0x1C30, s12;
	v3 =	vld [tilespmem:s29+$0x1000];
	[tilespmem:s25+$0x9000] =	vst v4  }
0x31a: {  	v4 =	vld [tilespmem:s30+$0x1000];
	_ =	sdelay $0x4  }
0x31b: {  	v0 =	vld.idx.msk [tilespmem:v0+s3+$0x0], $0xffff  }
0x31c: {  	v1 =	vld.idx.msk [tilespmem:v1+s3+$0x0], $0xffff  }
0x31d: {  	v3 =	vld.idx.msk [tilespmem:v3+s3+$0x0], $0xffff  }
0x31e: {  	v4 =	vld.idx.msk [tilespmem:v4+s3+$0x0], $0xffff;
	_ =	sdelay $0x1  }
0x31f: {  	[tilespmem:s26+$0x9000] =	vst v0;
	s31 =	sor.u32 $0x1C40, s14  }
0x320: {  	v0 =	vld [tilespmem:s31+$0x1000];
	[tilespmem:s28+$0x9000] =	vst v1;
	s20 =	sor.u32 $0x1C40, s15  }
0x321: {  	v1 =	vld [tilespmem:s20+$0x1000];
	s21 =	sor.u32 $0x1C40, s11;
	[tilespmem:s29+$0x9000] =	vst v3  }
0x322: {  	s22 =	sor.u32 $0x1C40, s12;
	v3 =	vld [tilespmem:s21+$0x1000];
	[tilespmem:s30+$0x9000] =	vst v4  }
0x323: {  	v4 =	vld [tilespmem:s22+$0x1000];
	_ =	sdelay $0x4  }
0x324: {  	v0 =	vld.idx.msk [tilespmem:v0+s3+$0x0], $0xffff  }
0x325: {  	v1 =	vld.idx.msk [tilespmem:v1+s3+$0x0], $0xffff  }
0x326: {  	v3 =	vld.idx.msk [tilespmem:v3+s3+$0x0], $0xffff  }
0x327: {  	v4 =	vld.idx.msk [tilespmem:v4+s3+$0x0], $0xffff;
	_ =	sdelay $0x1  }
0x328: {  	[tilespmem:s31+$0x9000] =	vst v0;
	s23 =	sor.u32 $0x1C50, s14  }
0x329: {  	v0 =	vld [tilespmem:s23+$0x1000];
	[tilespmem:s20+$0x9000] =	vst v1;
	s24 =	sor.u32 $0x1C50, s15  }
0x32a: {  	v1 =	vld [tilespmem:s24+$0x1000];
	s25 =	sor.u32 $0x1C50, s11;
	[tilespmem:s21+$0x9000] =	vst v3  }
0x32b: {  	s26 =	sor.u32 $0x1C50, s12;
	v3 =	vld [tilespmem:s25+$0x1000];
	[tilespmem:s22+$0x9000] =	vst v4  }
0x32c: {  	v4 =	vld [tilespmem:s26+$0x1000];
	_ =	sdelay $0x4  }
0x32d: {  	v0 =	vld.idx.msk [tilespmem:v0+s3+$0x0], $0xffff  }
0x32e: {  	v1 =	vld.idx.msk [tilespmem:v1+s3+$0x0], $0xffff  }
0x32f: {  	v3 =	vld.idx.msk [tilespmem:v3+s3+$0x0], $0xffff  }
0x330: {  	v4 =	vld.idx.msk [tilespmem:v4+s3+$0x0], $0xffff;
	_ =	sdelay $0x1  }
0x331: {  	[tilespmem:s23+$0x9000] =	vst v0;
	s28 =	sor.u32 $0x1C60, s14  }
0x332: {  	v0 =	vld [tilespmem:s28+$0x1000];
	[tilespmem:s24+$0x9000] =	vst v1;
	s29 =	sor.u32 $0x1C60, s15  }
0x333: {  	v1 =	vld [tilespmem:s29+$0x1000];
	s30 =	sor.u32 $0x1C60, s11;
	[tilespmem:s25+$0x9000] =	vst v3  }
0x334: {  	s31 =	sor.u32 $0x1C60, s12;
	v3 =	vld [tilespmem:s30+$0x1000];
	[tilespmem:s26+$0x9000] =	vst v4  }
0x335: {  	v4 =	vld [tilespmem:s31+$0x1000];
	_ =	sdelay $0x4  }
0x336: {  	v0 =	vld.idx.msk [tilespmem:v0+s3+$0x0], $0xffff  }
0x337: {  	v1 =	vld.idx.msk [tilespmem:v1+s3+$0x0], $0xffff  }
0x338: {  	v3 =	vld.idx.msk [tilespmem:v3+s3+$0x0], $0xffff  }
0x339: {  	v4 =	vld.idx.msk [tilespmem:v4+s3+$0x0], $0xffff;
	_ =	sdelay $0x1  }
0x33a: {  	s14 =	sor.u32 $0x1C70, s14;
	[tilespmem:s28+$0x9000] =	vst v0  }
0x33b: {  	v0 =	vld [tilespmem:s14+$0x1000];
	s15 =	sor.u32 $0x1C70, s15;
	[tilespmem:s29+$0x9000] =	vst v1  }
0x33c: {  	s11 =	sor.u32 $0x1C70, s11;
	v1 =	vld [tilespmem:s15+$0x1000];
	[tilespmem:s30+$0x9000] =	vst v3  }
0x33d: {  	s12 =	sor.u32 $0x1C70, s12;
	v3 =	vld [tilespmem:s11+$0x1000];
	[tilespmem:s31+$0x9000] =	vst v4  }
0x33e: {  	v4 =	vld [tilespmem:s12+$0x1000];
	_ =	sdelay $0x3  }
0x33f: {  	v2 =	vld.idx.msk [tilespmem:v2+s3+$0x0], $0xffff  }
0x340: {  	v0 =	vld.idx.msk [tilespmem:v0+s3+$0x0], $0xffff  }
0x341: {  	v1 =	vld.idx.msk [tilespmem:v1+s3+$0x0], $0xffff  }
0x342: {  	v3 =	vld.idx.msk [tilespmem:v3+s3+$0x0], $0xffff  }
0x343: {  	v4 =	vld.idx.msk [tilespmem:v4+s3+$0x0], $0xffff  }
0x344: {  	[tilespmem:s16+$0x9000] =	vst v2  }
0x345: {  	[tilespmem:s14+$0x9000] =	vst v0  }
0x346: {  	s10 =	sadd.s32 $0x1, s10;
	[tilespmem:s15+$0x9000] =	vst v1  }
0x347: {  	p0 =	sne.s32 s10, s6;
	[tilespmem:s11+$0x9000] =	vst v3  }
.Ltmp1:
0x348: {  	[tilespmem:s12+$0x9000] =	vst v4;
	(pc) =	sbr.rel @p0 .LBB2_1-.Ltmp1, $4  }
0x349: {  	[hbm4b:s5+s3] =	stream.linear.scatter [tilespmem:s9], [sflag:$0x1], $0x8000, $0x38;
	[tilespmem:$0x11000] =	vst v63  }
0x34a: {  	_ =	swait.ge [sflag:s7], $0x8000  }
0x34b: {  	[sflag:s7] =	ssyncset.done $0x0  }
0x34c: {  	[sflag:s7] =	ssyncadd.s32 $0xFFFF8000  }
0x34d: {  	_ =	sfence.sel $0x180000  }
0x34e: {  	[bflag:$0x0] =	sbarrier.arrive $0xFFFF  }
0x34f: {  	p0 =	sne.s32 s2, $0x0;
	_ =	strace $0x90000047  }
0x350: {  	s0 =	sadd.s32 @!p0 $0x100000, s0;
	[bflag:$0x2] =	sbarrier.arrive $0xFFFF  }
0x351: {  	[sflag:s0] =	ssyncadd.tile.s32 @!p0 $0x1;
	_ =	shalt  }
.Lfunc_end2:
_tile_overlayer_lowered:
.L_overlay_start_2:
0x352: {  	(tag) =	ssettag $0x2  }
0x353: {  	s0 =	rddreg [dreg:$0x0];
	s2 =	stileid.u32  }
0x354: {  	s1 =	rddreg [dreg:$0x1];
	p0 =	sne.s32 s2, $0x0  }
0x355: {  	s3 =	rddreg [dreg:$0x2];
	[bflag:$0x3] =	sbarrier.arrive $0xFFFF;
	s2 =	simm.s32 @!p0 $0x1C01  }
0x356: {  	[timem:s3], [sflag:s2] =	dma.local @!p0 [hbm:s0], s1  }
0x357: {  	s0 =	simm.s32 @!p0 $0x1  }
0x358: {  	_ =	swait.ge @!p0 [sflag:s0], s1  }
0x359: {  	s1 =	ssub.s32 @!p0 $0x0, s1;
	[sflag:s0] =	ssyncset.done @!p0 $0x0  }
0x35a: {  	[sflag:s0] =	ssyncadd.s32 @!p0 s1  }
0x35b: {  	[bflag:$0x3] =	sbarrier.arrive $0xFFFF  }
0x35c: {  	_ =	shalt  }

</sc_bundles>
